<compile_context>
chip_gen: v7x
topology: tpu7x:2x2x1
jax: 0.10.2.dev20260603
libtpu: 0.0.44.dev20260713+nightly
codegen_flags: <defaults>
</compile_context>

<pallas_src>
import functools

import jax
import jax.numpy as jnp
from jax import lax
from jax.experimental import pallas as pl
from jax.experimental.pallas import tpu as pltpu
from jax.experimental.pallas import tpu_sc as plsc

_NUM_CORES = 2
_NUM_SUBCORES = 16
_NW = _NUM_CORES * _NUM_SUBCORES

_BB = 128
_PITCH = 129


def _build(B, D, L):
    DT = D // 8
    NBT = B // _BB

    mesh = plsc.VectorSubcoreMesh(
        core_axis_name="c", subcore_axis_name="s")

    @functools.partial(
        pl.kernel,
        out_type=jax.ShapeDtypeStruct((L, DT, NBT, 8, _BB), jnp.float32),
        mesh=mesh,
        scratch_types=[
            pltpu.VMEM((L, _BB), jnp.int32),
            pltpu.VMEM((L, D), jnp.float32),
            [pltpu.VMEM((_BB, D), jnp.float32) for _ in range(2)],
            [pltpu.VMEM((D, _PITCH), jnp.float32) for _ in range(2)],
            [pltpu.SemaphoreType.DMA for _ in range(2)],
            [pltpu.SemaphoreType.DMA for _ in range(2)],
        ],
        compiler_params=pltpu.CompilerParams(
            use_tc_tiling_on_sc=False, needs_layout_passes=False),
    )
    def emb(idx_hbm, tok_hbm, pos_hbm, out_hbm,
            idx_v, pos_v, gs, ts, gsems, osems):
        wid = lax.axis_index("s") * _NUM_CORES + lax.axis_index("c")
        pltpu.sync_copy(idx_hbm.at[wid], idx_v)
        pltpu.sync_copy(pos_hbm, pos_v)

        lanes = lax.iota(jnp.int32, 16)
        crow = [lanes + 16 * j for j in range(D // 16)]

        def fire_gather(l, p):
            pltpu.async_copy(tok_hbm.at[idx_v.at[l]], gs[p], gsems[p])

        def wait_gather(p):
            pltpu.make_async_copy(
                tok_hbm.at[pl.ds(0, _BB)], gs[p], gsems[p]).wait()

        def fire_out(l, p):
            for dt in range(DT):
                pltpu.async_copy(
                    ts[p].at[pl.ds(dt * 8, 8), pl.ds(0, _BB)],
                    out_hbm.at[l, dt, wid], osems[p])

        def wait_out(p, l_fired):
            for dt in range(DT):
                pltpu.make_async_copy(
                    ts[p].at[pl.ds(dt * 8, 8), pl.ds(0, _BB)],
                    out_hbm.at[l_fired, dt, wid], osems[p]).wait()

        fire_gather(0, 0)

        def pair(h, carry):
            for p in range(2):
                l = h * 2 + p

                @pl.when(l + 1 < L)
                def _():
                    fire_gather(l + 1, 1 - p)

                wait_gather(p)

                @pl.when(l >= 2)
                def _():
                    wait_out(p, l - 2)

                pos_j = [pos_v[l, pl.ds(16 * j, 16)] for j in range(D // 16)]

                @plsc.parallel_loop(0, _BB, unroll=4)
                def _(b):
                    cb = lanes * 0 + b
                    for j in range(D // 16):
                        x = gs[p][b, pl.ds(16 * j, 16)] + pos_j[j]
                        plsc.store_scatter(ts[p], [crow[j], cb], x)

                fire_out(l, p)
            return carry

        lax.fori_loop(0, L // 2, pair, 0)
        wait_out(0, L - 2)
        wait_out(1, L - 1)

    return emb


def kernel(inputs, token_table, pos_table):
    B, L = inputs.shape
    _, D = token_table.shape
    idxr = inputs.reshape(B // _BB, _BB, L).transpose(0, 2, 1)
    emb = _build(B, D, L)
    out5 = emb(idxr, token_table, pos_table)
    return out5.transpose(2, 4, 0, 1, 3).reshape(B, L, D)

# --- scband reference (transcript-rebuilt; emitter-appended) ---
"""Pipeline reference for scband-positional-embedding-12850542150196 (READ-ONLY COPY).

The authoritative reference and input builder live on the scoring server;
editing this copy changes nothing except your own understanding.
"""

import jax, jax.numpy as jnp
import numpy as np

SEQ_LEN = 200
VOCAB = 100000
DIM = 64
BATCH = 4096

def setup_inputs(seed: int = 0) -> dict:
    key = jax.random.key(seed)
    k1, k2, k3 = jax.random.split(key, 3)
    inputs = jax.random.randint(k1, (BATCH, SEQ_LEN), 0, VOCAB, dtype=jnp.int64 if jax.config.jax_enable_x64 else jnp.int32).astype(jnp.int32)
    token_table = jax.random.normal(k2, (VOCAB, DIM), dtype=jnp.float32) * 0.02
    pos_table = jax.random.normal(k3, (SEQ_LEN, DIM), dtype=jnp.float32) * 0.02
    return {"inputs": inputs, "token_table": token_table, "pos_table": pos_table}

def reference(inputs, token_table, pos_table):
    # token embedding lookup
    embedded_tokens = jnp.take(token_table, inputs, axis=0)  # [B, L, D]
    length = inputs.shape[-1]
    positions = jnp.arange(length)
    embedded_positions = jnp.take(pos_table, positions, axis=0)  # [L, D]
    return embedded_tokens + embedded_positions[None, :, :]

if __name__ == "__main__":
    import jax
    _d = setup_inputs()
    print(jax.jit(kernel)(*tuple(_d.values())))

</pallas_src>

<mosaic_0001>
#map = affine_map<(d0, d1) -> (0, 0, 0)>
#map1 = affine_map<(d0, d1) -> (0, 0)>
#map2 = affine_map<(d0, d1) -> (0, 0, 0, 0, 0)>
module attributes {stable_mosaic.version = 14 : i64} {
  func.func @emb(%arg0: i32, %arg1: i32, %arg2: memref<32x200x128xi32, #tpu.memory_space<hbm>>, %arg3: memref<100000x64xf32, #tpu.memory_space<hbm>>, %arg4: memref<200x64xf32, #tpu.memory_space<hbm>>, %arg5: memref<200x8x32x8x128xf32, #tpu.memory_space<hbm>>, %arg6: memref<200x128xi32, #tpu.memory_space<vmem>>, %arg7: memref<200x64xf32, #tpu.memory_space<vmem>>, %arg8: memref<128x64xf32, #tpu.memory_space<vmem>>, %arg9: memref<128x64xf32, #tpu.memory_space<vmem>>, %arg10: memref<64x129xf32, #tpu.memory_space<vmem>>, %arg11: memref<64x129xf32, #tpu.memory_space<vmem>>, %arg12: memref<!tpu.dma_semaphore, #tpu.memory_space<semaphore_mem>>, %arg13: memref<!tpu.dma_semaphore, #tpu.memory_space<semaphore_mem>>, %arg14: memref<!tpu.dma_semaphore, #tpu.memory_space<semaphore_mem>>, %arg15: memref<!tpu.dma_semaphore, #tpu.memory_space<semaphore_mem>>) attributes {dimension_semantics = [#tpu.dimension_semantics<core_parallel>, #tpu.dimension_semantics<subcore_parallel>], iteration_bounds = array<i64: 2, 16>, scalar_prefetch = 0 : i64, scratch_operands = 10 : i64, tpu.core_type = #tpu.core_type<sc_vector_subcore>, window_params = [{transform_indices = #map}, {transform_indices = #map1}, {transform_indices = #map1}, {transform_indices = #map2}]} {
    %mul3A = arith.constant 2 : i32
    %mul3A_0 = arith.muli %arg1, %mul3A : i32
    %add3A = arith.addi %mul3A_0, %arg0 : i32
    "tpu.region"() ({
      %run_scoped3A = tpu.sem_alloc : memref<!tpu.dma_semaphore, #tpu.memory_space<semaphore_mem>>
      %dma_start3A_279 = arith.constant 0 : i32
      %dma_start3A_280 = arith.constant 0 : i32
      %dma_start3A_281 = tpu.memref_slice %arg2[%add3A, %dma_start3A_279, %dma_start3A_280] : memref<32x200x128xi32, #tpu.memory_space<hbm>> -> memref<1x200x128xi32, #tpu.memory_space<hbm>>
      %dma_start3A_282 = tpu.memref_squeeze %dma_start3A_281 : memref<1x200x128xi32, #tpu.memory_space<hbm>> -> memref<200x128xi32, #tpu.memory_space<hbm>>
      %dma_start3A_283 = arith.constant 0 : i32
      %dma_start3A_284 = arith.constant 0 : i32
      %dma_start3A_285 = tpu.memref_slice %arg2[%add3A, %dma_start3A_283, %dma_start3A_284] : memref<32x200x128xi32, #tpu.memory_space<hbm>> -> memref<1x200x128xi32, #tpu.memory_space<hbm>>
      %dma_start3A_286 = tpu.memref_squeeze %dma_start3A_285 : memref<1x200x128xi32, #tpu.memory_space<hbm>> -> memref<200x128xi32, #tpu.memory_space<hbm>>
      tpu.enqueue_dma source(%dma_start3A_286 : memref<200x128xi32, #tpu.memory_space<hbm>>) target(%arg6 : memref<200x128xi32, #tpu.memory_space<vmem>>) target_semaphore(%run_scoped3A : memref<!tpu.dma_semaphore, #tpu.memory_space<semaphore_mem>>)
      %dma_wait3A_287 = arith.constant 0 : i32
      %dma_wait3A_288 = arith.constant 0 : i32
      %dma_wait3A_289 = tpu.memref_slice %arg2[%add3A, %dma_wait3A_287, %dma_wait3A_288] : memref<32x200x128xi32, #tpu.memory_space<hbm>> -> memref<1x200x128xi32, #tpu.memory_space<hbm>>
      %dma_wait3A_290 = tpu.memref_squeeze %dma_wait3A_289 : memref<1x200x128xi32, #tpu.memory_space<hbm>> -> memref<200x128xi32, #tpu.memory_space<hbm>>
      %dma_wait3A_291 = arith.constant 0 : i32
      %dma_wait3A_292 = arith.constant 0 : i32
      %dma_wait3A_293 = tpu.memref_slice %arg2[%add3A, %dma_wait3A_291, %dma_wait3A_292] : memref<32x200x128xi32, #tpu.memory_space<hbm>> -> memref<1x200x128xi32, #tpu.memory_space<hbm>>
      %dma_wait3A_294 = tpu.memref_squeeze %dma_wait3A_293 : memref<1x200x128xi32, #tpu.memory_space<hbm>> -> memref<200x128xi32, #tpu.memory_space<hbm>>
      tpu.wait_dma2 semaphore(%run_scoped3A : memref<!tpu.dma_semaphore, #tpu.memory_space<semaphore_mem>>) src(%dma_wait3A_294 : memref<200x128xi32, #tpu.memory_space<hbm>>) dst(%arg6 : memref<200x128xi32, #tpu.memory_space<vmem>>)
      tpu.yield
    }) : () -> ()
    "tpu.region"() ({
      %run_scoped3A = tpu.sem_alloc : memref<!tpu.dma_semaphore, #tpu.memory_space<semaphore_mem>>
      tpu.enqueue_dma source(%arg4 : memref<200x64xf32, #tpu.memory_space<hbm>>) target(%arg7 : memref<200x64xf32, #tpu.memory_space<vmem>>) target_semaphore(%run_scoped3A : memref<!tpu.dma_semaphore, #tpu.memory_space<semaphore_mem>>)
      tpu.wait_dma2 semaphore(%run_scoped3A : memref<!tpu.dma_semaphore, #tpu.memory_space<semaphore_mem>>) src(%arg4 : memref<200x64xf32, #tpu.memory_space<hbm>>) dst(%arg7 : memref<200x64xf32, #tpu.memory_space<vmem>>)
      tpu.yield
    }) : () -> ()
    %iota3A = tpu.iota {dimensions = array<i32: 0>} : vector<16xi32>
    %add3A_1 = arith.constant 0 : i32
    %add3A_2 = vector.broadcast %add3A_1 : i32 to vector<16xi32>
    %add3A_3 = arith.addi %iota3A, %add3A_2 : vector<16xi32>
    %add3A_4 = arith.constant 16 : i32
    %add3A_5 = vector.broadcast %add3A_4 : i32 to vector<16xi32>
    %add3A_6 = arith.addi %iota3A, %add3A_5 : vector<16xi32>
    %add3A_7 = arith.constant 32 : i32
    %add3A_8 = vector.broadcast %add3A_7 : i32 to vector<16xi32>
    %add3A_9 = arith.addi %iota3A, %add3A_8 : vector<16xi32>
    %add3A_10 = arith.constant 48 : i32
    %add3A_11 = vector.broadcast %add3A_10 : i32 to vector<16xi32>
    %add3A_12 = arith.addi %iota3A, %add3A_11 : vector<16xi32>
    %dma_start3A = arith.constant 0 : i32
    %dma_start3A_13 = arith.constant 0 : i32
    %dma_start3A_14 = tpu.memref_slice %arg6[%dma_start3A, %dma_start3A_13] : memref<200x128xi32, #tpu.memory_space<vmem>> -> memref<1x128xi32, #tpu.memory_space<vmem>>
    %dma_start3A_15 = tpu.memref_squeeze %dma_start3A_14 : memref<1x128xi32, #tpu.memory_space<vmem>> -> memref<128xi32, #tpu.memory_space<vmem>>
    %dma_start3A_16 = arith.constant 0 : i32
    %dma_start3A_17 = arith.constant 0 : i32
    %dma_start3A_18 = tpu.memref_slice %arg3[%dma_start3A_16, %dma_start3A_17] : memref<100000x64xf32, #tpu.memory_space<hbm>> -> memref<100000x64xf32, #tpu.memory_space<hbm>>
    tpu.enqueue_indirect_dma source(%dma_start3A_18 : memref<100000x64xf32, #tpu.memory_space<hbm>>) target(%arg8 : memref<128x64xf32, #tpu.memory_space<vmem>>) offsets(%dma_start3A_15 : memref<128xi32, #tpu.memory_space<vmem>>) semaphore(%arg12 : memref<!tpu.dma_semaphore, #tpu.memory_space<semaphore_mem>>)
    %scan3A = arith.constant 0 : i32
    %scan3A_19 = arith.constant 0 : i32
    %scan3A_20 = arith.constant 100 : i32
    %scan3A_21 = arith.addi %scan3A_19, %scan3A_20 : i32
    %scan3A_22 = arith.constant 1 : i32
    scf.for %scan3A_279 = %scan3A_19 to %scan3A_21 step %scan3A_22  : i32 {
      %mul3A_280 = arith.constant 2 : i32
      %mul3A_281 = arith.muli %scan3A_279, %mul3A_280 : i32
      %add3A_282 = arith.constant 0 : i32
      %add3A_283 = arith.addi %mul3A_281, %add3A_282 : i32
      %add3A_284 = arith.constant 1 : i32
      %add3A_285 = arith.addi %add3A_283, %add3A_284 : i32
      %lt3A = arith.constant 200 : i32
      %lt3A_286 = arith.cmpi slt, %add3A_285, %lt3A : i32
      %convert_element_type3A = arith.extui %lt3A_286 : i1 to i32
      %cond3A = arith.constant 0 : i32
      %cond3A_287 = arith.cmpi ne, %convert_element_type3A, %cond3A : i32
      scf.if %cond3A_287 {
        %add3A_588 = arith.constant 1 : i32
        %add3A_589 = arith.addi %add3A_283, %add3A_588 : i32
        %dma_start3A_590 = arith.constant 0 : i32
        %dma_start3A_591 = tpu.memref_slice %arg6[%add3A_589, %dma_start3A_590] : memref<200x128xi32, #tpu.memory_space<vmem>> -> memref<1x128xi32, #tpu.memory_space<vmem>>
        %dma_start3A_592 = tpu.memref_squeeze %dma_start3A_591 : memref<1x128xi32, #tpu.memory_space<vmem>> -> memref<128xi32, #tpu.memory_space<vmem>>
        %dma_start3A_593 = arith.constant 0 : i32
        %dma_start3A_594 = arith.constant 0 : i32
        %dma_start3A_595 = tpu.memref_slice %arg3[%dma_start3A_593, %dma_start3A_594] : memref<100000x64xf32, #tpu.memory_space<hbm>> -> memref<100000x64xf32, #tpu.memory_space<hbm>>
        tpu.enqueue_indirect_dma source(%dma_start3A_595 : memref<100000x64xf32, #tpu.memory_space<hbm>>) target(%arg9 : memref<128x64xf32, #tpu.memory_space<vmem>>) offsets(%dma_start3A_592 : memref<128xi32, #tpu.memory_space<vmem>>) semaphore(%arg13 : memref<!tpu.dma_semaphore, #tpu.memory_space<semaphore_mem>>)
      } else {
      }
      %dma_wait3A_288 = arith.constant 0 : i32
      %dma_wait3A_289 = arith.constant 0 : i32
      %dma_wait3A_290 = tpu.memref_slice %arg3[%dma_wait3A_288, %dma_wait3A_289] : memref<100000x64xf32, #tpu.memory_space<hbm>> -> memref<128x64xf32, #tpu.memory_space<hbm>>
      %dma_wait3A_291 = arith.constant 0 : i32
      %dma_wait3A_292 = arith.constant 0 : i32
      %dma_wait3A_293 = tpu.memref_slice %arg3[%dma_wait3A_291, %dma_wait3A_292] : memref<100000x64xf32, #tpu.memory_space<hbm>> -> memref<128x64xf32, #tpu.memory_space<hbm>>
      tpu.wait_dma2 semaphore(%arg12 : memref<!tpu.dma_semaphore, #tpu.memory_space<semaphore_mem>>) src(%dma_wait3A_293 : memref<128x64xf32, #tpu.memory_space<hbm>>) dst(%arg8 : memref<128x64xf32, #tpu.memory_space<vmem>>)
      %ge3A = arith.constant 2 : i32
      %ge3A_294 = arith.cmpi sge, %add3A_283, %ge3A : i32
      %convert_element_type3A_295 = arith.extui %ge3A_294 : i1 to i32
      %cond3A_296 = arith.constant 0 : i32
      %cond3A_297 = arith.cmpi ne, %convert_element_type3A_295, %cond3A_296 : i32
      scf.if %cond3A_297 {
        %sub3A = arith.constant 2 : i32
        %sub3A_588 = arith.subi %add3A_283, %sub3A : i32
        %dma_wait3A_589 = arith.constant 0 : i32
        %dma_wait3A_590 = arith.constant 0 : i32
        %dma_wait3A_591 = arith.constant 0 : i32
        %dma_wait3A_592 = tpu.memref_slice %arg10[%dma_wait3A_590, %dma_wait3A_591] : memref<64x129xf32, #tpu.memory_space<vmem>> -> memref<8x128xf32, #tpu.memory_space<vmem>>
        %dma_wait3A_593 = arith.constant 0 : i32
        %dma_wait3A_594 = arith.constant 0 : i32
        %dma_wait3A_595 = tpu.memref_slice %arg5[%sub3A_588, %dma_wait3A_589, %add3A, %dma_wait3A_593, %dma_wait3A_594] : memref<200x8x32x8x128xf32, #tpu.memory_space<hbm>> -> memref<1x1x1x8x128xf32, #tpu.memory_space<hbm>>
        %dma_wait3A_596 = tpu.memref_squeeze %dma_wait3A_595 : memref<1x1x1x8x128xf32, #tpu.memory_space<hbm>> -> memref<8x128xf32, #tpu.memory_space<hbm>>
        %dma_wait3A_597 = arith.constant 0 : i32
        %dma_wait3A_598 = arith.constant 0 : i32
        %dma_wait3A_599 = tpu.memref_slice %arg5[%sub3A_588, %dma_wait3A_589, %add3A, %dma_wait3A_597, %dma_wait3A_598] : memref<200x8x32x8x128xf32, #tpu.memory_space<hbm>> -> memref<1x1x1x8x128xf32, #tpu.memory_space<hbm>>
        %dma_wait3A_600 = tpu.memref_squeeze %dma_wait3A_599 : memref<1x1x1x8x128xf32, #tpu.memory_space<hbm>> -> memref<8x128xf32, #tpu.memory_space<hbm>>
        %dma_wait3A_601 = arith.constant 0 : i32
        %dma_wait3A_602 = arith.constant 0 : i32
        %dma_wait3A_603 = tpu.memref_slice %arg10[%dma_wait3A_601, %dma_wait3A_602] : memref<64x129xf32, #tpu.memory_space<vmem>> -> memref<8x128xf32, #tpu.memory_space<vmem>>
        tpu.wait_dma2 semaphore(%arg14 : memref<!tpu.dma_semaphore, #tpu.memory_space<semaphore_mem>>) src(%dma_wait3A_603 : memref<8x128xf32, #tpu.memory_space<vmem>>) dst(%dma_wait3A_600 : memref<8x128xf32, #tpu.memory_space<hbm>>)
        %dma_wait3A_604 = arith.constant 1 : i32
        %dma_wait3A_605 = arith.constant 8 : i32
        %dma_wait3A_606 = arith.constant 0 : i32
        %dma_wait3A_607 = tpu.memref_slice %arg10[%dma_wait3A_605, %dma_wait3A_606] : memref<64x129xf32, #tpu.memory_space<vmem>> -> memref<8x128xf32, #tpu.memory_space<vmem>>
        %dma_wait3A_608 = arith.constant 0 : i32
        %dma_wait3A_609 = arith.constant 0 : i32
        %dma_wait3A_610 = tpu.memref_slice %arg5[%sub3A_588, %dma_wait3A_604, %add3A, %dma_wait3A_608, %dma_wait3A_609] : memref<200x8x32x8x128xf32, #tpu.memory_space<hbm>> -> memref<1x1x1x8x128xf32, #tpu.memory_space<hbm>>
        %dma_wait3A_611 = tpu.memref_squeeze %dma_wait3A_610 : memref<1x1x1x8x128xf32, #tpu.memory_space<hbm>> -> memref<8x128xf32, #tpu.memory_space<hbm>>
        %dma_wait3A_612 = arith.constant 0 : i32
        %dma_wait3A_613 = arith.constant 0 : i32
        %dma_wait3A_614 = tpu.memref_slice %arg5[%sub3A_588, %dma_wait3A_604, %add3A, %dma_wait3A_612, %dma_wait3A_613] : memref<200x8x32x8x128xf32, #tpu.memory_space<hbm>> -> memref<1x1x1x8x128xf32, #tpu.memory_space<hbm>>
        %dma_wait3A_615 = tpu.memref_squeeze %dma_wait3A_614 : memref<1x1x1x8x128xf32, #tpu.memory_space<hbm>> -> memref<8x128xf32, #tpu.memory_space<hbm>>
        %dma_wait3A_616 = arith.constant 8 : i32
        %dma_wait3A_617 = arith.constant 0 : i32
        %dma_wait3A_618 = tpu.memref_slice %arg10[%dma_wait3A_616, %dma_wait3A_617] : memref<64x129xf32, #tpu.memory_space<vmem>> -> memref<8x128xf32, #tpu.memory_space<vmem>>
        tpu.wait_dma2 semaphore(%arg14 : memref<!tpu.dma_semaphore, #tpu.memory_space<semaphore_mem>>) src(%dma_wait3A_618 : memref<8x128xf32, #tpu.memory_space<vmem>>) dst(%dma_wait3A_615 : memref<8x128xf32, #tpu.memory_space<hbm>>)
        %dma_wait3A_619 = arith.constant 2 : i32
        %dma_wait3A_620 = arith.constant 16 : i32
        %dma_wait3A_621 = arith.constant 0 : i32
        %dma_wait3A_622 = tpu.memref_slice %arg10[%dma_wait3A_620, %dma_wait3A_621] : memref<64x129xf32, #tpu.memory_space<vmem>> -> memref<8x128xf32, #tpu.memory_space<vmem>>
        %dma_wait3A_623 = arith.constant 0 : i32
        %dma_wait3A_624 = arith.constant 0 : i32
        %dma_wait3A_625 = tpu.memref_slice %arg5[%sub3A_588, %dma_wait3A_619, %add3A, %dma_wait3A_623, %dma_wait3A_624] : memref<200x8x32x8x128xf32, #tpu.memory_space<hbm>> -> memref<1x1x1x8x128xf32, #tpu.memory_space<hbm>>
        %dma_wait3A_626 = tpu.memref_squeeze %dma_wait3A_625 : memref<1x1x1x8x128xf32, #tpu.memory_space<hbm>> -> memref<8x128xf32, #tpu.memory_space<hbm>>
        %dma_wait3A_627 = arith.constant 0 : i32
        %dma_wait3A_628 = arith.constant 0 : i32
        %dma_wait3A_629 = tpu.memref_slice %arg5[%sub3A_588, %dma_wait3A_619, %add3A, %dma_wait3A_627, %dma_wait3A_628] : memref<200x8x32x8x128xf32, #tpu.memory_space<hbm>> -> memref<1x1x1x8x128xf32, #tpu.memory_space<hbm>>
        %dma_wait3A_630 = tpu.memref_squeeze %dma_wait3A_629 : memref<1x1x1x8x128xf32, #tpu.memory_space<hbm>> -> memref<8x128xf32, #tpu.memory_space<hbm>>
        %dma_wait3A_631 = arith.constant 16 : i32
        %dma_wait3A_632 = arith.constant 0 : i32
        %dma_wait3A_633 = tpu.memref_slice %arg10[%dma_wait3A_631, %dma_wait3A_632] : memref<64x129xf32, #tpu.memory_space<vmem>> -> memref<8x128xf32, #tpu.memory_space<vmem>>
        tpu.wait_dma2 semaphore(%arg14 : memref<!tpu.dma_semaphore, #tpu.memory_space<semaphore_mem>>) src(%dma_wait3A_633 : memref<8x128xf32, #tpu.memory_space<vmem>>) dst(%dma_wait3A_630 : memref<8x128xf32, #tpu.memory_space<hbm>>)
        %dma_wait3A_634 = arith.constant 3 : i32
        %dma_wait3A_635 = arith.constant 24 : i32
        %dma_wait3A_636 = arith.constant 0 : i32
        %dma_wait3A_637 = tpu.memref_slice %arg10[%dma_wait3A_635, %dma_wait3A_636] : memref<64x129xf32, #tpu.memory_space<vmem>> -> memref<8x128xf32, #tpu.memory_space<vmem>>
        %dma_wait3A_638 = arith.constant 0 : i32
        %dma_wait3A_639 = arith.constant 0 : i32
        %dma_wait3A_640 = tpu.memref_slice %arg5[%sub3A_588, %dma_wait3A_634, %add3A, %dma_wait3A_638, %dma_wait3A_639] : memref<200x8x32x8x128xf32, #tpu.memory_space<hbm>> -> memref<1x1x1x8x128xf32, #tpu.memory_space<hbm>>
        %dma_wait3A_641 = tpu.memref_squeeze %dma_wait3A_640 : memref<1x1x1x8x128xf32, #tpu.memory_space<hbm>> -> memref<8x128xf32, #tpu.memory_space<hbm>>
        %dma_wait3A_642 = arith.constant 0 : i32
        %dma_wait3A_643 = arith.constant 0 : i32
        %dma_wait3A_644 = tpu.memref_slice %arg5[%sub3A_588, %dma_wait3A_634, %add3A, %dma_wait3A_642, %dma_wait3A_643] : memref<200x8x32x8x128xf32, #tpu.memory_space<hbm>> -> memref<1x1x1x8x128xf32, #tpu.memory_space<hbm>>
        %dma_wait3A_645 = tpu.memref_squeeze %dma_wait3A_644 : memref<1x1x1x8x128xf32, #tpu.memory_space<hbm>> -> memref<8x128xf32, #tpu.memory_space<hbm>>
        %dma_wait3A_646 = arith.constant 24 : i32
        %dma_wait3A_647 = arith.constant 0 : i32
        %dma_wait3A_648 = tpu.memref_slice %arg10[%dma_wait3A_646, %dma_wait3A_647] : memref<64x129xf32, #tpu.memory_space<vmem>> -> memref<8x128xf32, #tpu.memory_space<vmem>>
        tpu.wait_dma2 semaphore(%arg14 : memref<!tpu.dma_semaphore, #tpu.memory_space<semaphore_mem>>) src(%dma_wait3A_648 : memref<8x128xf32, #tpu.memory_space<vmem>>) dst(%dma_wait3A_645 : memref<8x128xf32, #tpu.memory_space<hbm>>)
        %dma_wait3A_649 = arith.constant 4 : i32
        %dma_wait3A_650 = arith.constant 32 : i32
        %dma_wait3A_651 = arith.constant 0 : i32
        %dma_wait3A_652 = tpu.memref_slice %arg10[%dma_wait3A_650, %dma_wait3A_651] : memref<64x129xf32, #tpu.memory_space<vmem>> -> memref<8x128xf32, #tpu.memory_space<vmem>>
        %dma_wait3A_653 = arith.constant 0 : i32
        %dma_wait3A_654 = arith.constant 0 : i32
        %dma_wait3A_655 = tpu.memref_slice %arg5[%sub3A_588, %dma_wait3A_649, %add3A, %dma_wait3A_653, %dma_wait3A_654] : memref<200x8x32x8x128xf32, #tpu.memory_space<hbm>> -> memref<1x1x1x8x128xf32, #tpu.memory_space<hbm>>
        %dma_wait3A_656 = tpu.memref_squeeze %dma_wait3A_655 : memref<1x1x1x8x128xf32, #tpu.memory_space<hbm>> -> memref<8x128xf32, #tpu.memory_space<hbm>>
        %dma_wait3A_657 = arith.constant 0 : i32
        %dma_wait3A_658 = arith.constant 0 : i32
        %dma_wait3A_659 = tpu.memref_slice %arg5[%sub3A_588, %dma_wait3A_649, %add3A, %dma_wait3A_657, %dma_wait3A_658] : memref<200x8x32x8x128xf32, #tpu.memory_space<hbm>> -> memref<1x1x1x8x128xf32, #tpu.memory_space<hbm>>
        %dma_wait3A_660 = tpu.memref_squeeze %dma_wait3A_659 : memref<1x1x1x8x128xf32, #tpu.memory_space<hbm>> -> memref<8x128xf32, #tpu.memory_space<hbm>>
        %dma_wait3A_661 = arith.constant 32 : i32
        %dma_wait3A_662 = arith.constant 0 : i32
        %dma_wait3A_663 = tpu.memref_slice %arg10[%dma_wait3A_661, %dma_wait3A_662] : memref<64x129xf32, #tpu.memory_space<vmem>> -> memref<8x128xf32, #tpu.memory_space<vmem>>
        tpu.wait_dma2 semaphore(%arg14 : memref<!tpu.dma_semaphore, #tpu.memory_space<semaphore_mem>>) src(%dma_wait3A_663 : memref<8x128xf32, #tpu.memory_space<vmem>>) dst(%dma_wait3A_660 : memref<8x128xf32, #tpu.memory_space<hbm>>)
        %dma_wait3A_664 = arith.constant 5 : i32
        %dma_wait3A_665 = arith.constant 40 : i32
        %dma_wait3A_666 = arith.constant 0 : i32
        %dma_wait3A_667 = tpu.memref_slice %arg10[%dma_wait3A_665, %dma_wait3A_666] : memref<64x129xf32, #tpu.memory_space<vmem>> -> memref<8x128xf32, #tpu.memory_space<vmem>>
        %dma_wait3A_668 = arith.constant 0 : i32
        %dma_wait3A_669 = arith.constant 0 : i32
        %dma_wait3A_670 = tpu.memref_slice %arg5[%sub3A_588, %dma_wait3A_664, %add3A, %dma_wait3A_668, %dma_wait3A_669] : memref<200x8x32x8x128xf32, #tpu.memory_space<hbm>> -> memref<1x1x1x8x128xf32, #tpu.memory_space<hbm>>
        %dma_wait3A_671 = tpu.memref_squeeze %dma_wait3A_670 : memref<1x1x1x8x128xf32, #tpu.memory_space<hbm>> -> memref<8x128xf32, #tpu.memory_space<hbm>>
        %dma_wait3A_672 = arith.constant 0 : i32
        %dma_wait3A_673 = arith.constant 0 : i32
        %dma_wait3A_674 = tpu.memref_slice %arg5[%sub3A_588, %dma_wait3A_664, %add3A, %dma_wait3A_672, %dma_wait3A_673] : memref<200x8x32x8x128xf32, #tpu.memory_space<hbm>> -> memref<1x1x1x8x128xf32, #tpu.memory_space<hbm>>
        %dma_wait3A_675 = tpu.memref_squeeze %dma_wait3A_674 : memref<1x1x1x8x128xf32, #tpu.memory_space<hbm>> -> memref<8x128xf32, #tpu.memory_space<hbm>>
        %dma_wait3A_676 = arith.constant 40 : i32
        %dma_wait3A_677 = arith.constant 0 : i32
        %dma_wait3A_678 = tpu.memref_slice %arg10[%dma_wait3A_676, %dma_wait3A_677] : memref<64x129xf32, #tpu.memory_space<vmem>> -> memref<8x128xf32, #tpu.memory_space<vmem>>
        tpu.wait_dma2 semaphore(%arg14 : memref<!tpu.dma_semaphore, #tpu.memory_space<semaphore_mem>>) src(%dma_wait3A_678 : memref<8x128xf32, #tpu.memory_space<vmem>>) dst(%dma_wait3A_675 : memref<8x128xf32, #tpu.memory_space<hbm>>)
        %dma_wait3A_679 = arith.constant 6 : i32
        %dma_wait3A_680 = arith.constant 48 : i32
        %dma_wait3A_681 = arith.constant 0 : i32
        %dma_wait3A_682 = tpu.memref_slice %arg10[%dma_wait3A_680, %dma_wait3A_681] : memref<64x129xf32, #tpu.memory_space<vmem>> -> memref<8x128xf32, #tpu.memory_space<vmem>>
        %dma_wait3A_683 = arith.constant 0 : i32
        %dma_wait3A_684 = arith.constant 0 : i32
        %dma_wait3A_685 = tpu.memref_slice %arg5[%sub3A_588, %dma_wait3A_679, %add3A, %dma_wait3A_683, %dma_wait3A_684] : memref<200x8x32x8x128xf32, #tpu.memory_space<hbm>> -> memref<1x1x1x8x128xf32, #tpu.memory_space<hbm>>
        %dma_wait3A_686 = tpu.memref_squeeze %dma_wait3A_685 : memref<1x1x1x8x128xf32, #tpu.memory_space<hbm>> -> memref<8x128xf32, #tpu.memory_space<hbm>>
        %dma_wait3A_687 = arith.constant 0 : i32
        %dma_wait3A_688 = arith.constant 0 : i32
        %dma_wait3A_689 = tpu.memref_slice %arg5[%sub3A_588, %dma_wait3A_679, %add3A, %dma_wait3A_687, %dma_wait3A_688] : memref<200x8x32x8x128xf32, #tpu.memory_space<hbm>> -> memref<1x1x1x8x128xf32, #tpu.memory_space<hbm>>
        %dma_wait3A_690 = tpu.memref_squeeze %dma_wait3A_689 : memref<1x1x1x8x128xf32, #tpu.memory_space<hbm>> -> memref<8x128xf32, #tpu.memory_space<hbm>>
        %dma_wait3A_691 = arith.constant 48 : i32
        %dma_wait3A_692 = arith.constant 0 : i32
        %dma_wait3A_693 = tpu.memref_slice %arg10[%dma_wait3A_691, %dma_wait3A_692] : memref<64x129xf32, #tpu.memory_space<vmem>> -> memref<8x128xf32, #tpu.memory_space<vmem>>
        tpu.wait_dma2 semaphore(%arg14 : memref<!tpu.dma_semaphore, #tpu.memory_space<semaphore_mem>>) src(%dma_wait3A_693 : memref<8x128xf32, #tpu.memory_space<vmem>>) dst(%dma_wait3A_690 : memref<8x128xf32, #tpu.memory_space<hbm>>)
        %dma_wait3A_694 = arith.constant 7 : i32
        %dma_wait3A_695 = arith.constant 56 : i32
        %dma_wait3A_696 = arith.constant 0 : i32
        %dma_wait3A_697 = tpu.memref_slice %arg10[%dma_wait3A_695, %dma_wait3A_696] : memref<64x129xf32, #tpu.memory_space<vmem>> -> memref<8x128xf32, #tpu.memory_space<vmem>>
        %dma_wait3A_698 = arith.constant 0 : i32
        %dma_wait3A_699 = arith.constant 0 : i32
        %dma_wait3A_700 = tpu.memref_slice %arg5[%sub3A_588, %dma_wait3A_694, %add3A, %dma_wait3A_698, %dma_wait3A_699] : memref<200x8x32x8x128xf32, #tpu.memory_space<hbm>> -> memref<1x1x1x8x128xf32, #tpu.memory_space<hbm>>
        %dma_wait3A_701 = tpu.memref_squeeze %dma_wait3A_700 : memref<1x1x1x8x128xf32, #tpu.memory_space<hbm>> -> memref<8x128xf32, #tpu.memory_space<hbm>>
        %dma_wait3A_702 = arith.constant 0 : i32
        %dma_wait3A_703 = arith.constant 0 : i32
        %dma_wait3A_704 = tpu.memref_slice %arg5[%sub3A_588, %dma_wait3A_694, %add3A, %dma_wait3A_702, %dma_wait3A_703] : memref<200x8x32x8x128xf32, #tpu.memory_space<hbm>> -> memref<1x1x1x8x128xf32, #tpu.memory_space<hbm>>
        %dma_wait3A_705 = tpu.memref_squeeze %dma_wait3A_704 : memref<1x1x1x8x128xf32, #tpu.memory_space<hbm>> -> memref<8x128xf32, #tpu.memory_space<hbm>>
        %dma_wait3A_706 = arith.constant 56 : i32
        %dma_wait3A_707 = arith.constant 0 : i32
        %dma_wait3A_708 = tpu.memref_slice %arg10[%dma_wait3A_706, %dma_wait3A_707] : memref<64x129xf32, #tpu.memory_space<vmem>> -> memref<8x128xf32, #tpu.memory_space<vmem>>
        tpu.wait_dma2 semaphore(%arg14 : memref<!tpu.dma_semaphore, #tpu.memory_space<semaphore_mem>>) src(%dma_wait3A_708 : memref<8x128xf32, #tpu.memory_space<vmem>>) dst(%dma_wait3A_705 : memref<8x128xf32, #tpu.memory_space<hbm>>)
      } else {
      }
      %get3A = arith.index_cast %add3A_283 : i32 to index
      %get3A_298 = arith.constant 0 : index
      %get3A_299 = tpu.vector_load %arg7[%get3A, %get3A_298] {strides = array<i32>} : memref<200x64xf32, #tpu.memory_space<vmem>>, vector<16xf32>,
      %get3A_300 = arith.index_cast %add3A_283 : i32 to index
      %get3A_301 = arith.constant 16 : index
      %get3A_302 = tpu.vector_load %arg7[%get3A_300, %get3A_301] {strides = array<i32>} : memref<200x64xf32, #tpu.memory_space<vmem>>, vector<16xf32>,
      %get3A_303 = arith.index_cast %add3A_283 : i32 to index
      %get3A_304 = arith.constant 32 : index
      %get3A_305 = tpu.vector_load %arg7[%get3A_303, %get3A_304] {strides = array<i32>} : memref<200x64xf32, #tpu.memory_space<vmem>>, vector<16xf32>,
      %get3A_306 = arith.index_cast %add3A_283 : i32 to index
      %get3A_307 = arith.constant 48 : index
      %get3A_308 = tpu.vector_load %arg7[%get3A_306, %get3A_307] {strides = array<i32>} : memref<200x64xf32, #tpu.memory_space<vmem>>, vector<16xf32>,
      %parallel_loop3A = arith.constant 0 : i32
      %parallel_loop3A_309 = arith.constant 128 : i32
      %parallel_loop3A_310 = arith.constant 1 : i32
      scf.for %parallel_loop3A_588 = %parallel_loop3A to %parallel_loop3A_309 step %parallel_loop3A_310  : i32 {
        %parallel_loop3A_589 = arith.constant 0 : i32
        %parallel_loop3A_590 = vector.broadcast %parallel_loop3A_589 : i32 to vector<16xi32>
        %parallel_loop3A_591 = arith.muli %iota3A, %parallel_loop3A_590 : vector<16xi32>
        %parallel_loop3A_592 = vector.broadcast %parallel_loop3A_588 : i32 to vector<16xi32>
        %parallel_loop3A_593 = arith.addi %parallel_loop3A_591, %parallel_loop3A_592 : vector<16xi32>
        %parallel_loop3A_594 = arith.index_cast %parallel_loop3A_588 : i32 to index
        %parallel_loop3A_595 = arith.constant 0 : index
        %parallel_loop3A_596 = tpu.vector_load %arg8[%parallel_loop3A_594, %parallel_loop3A_595] {strides = array<i32>} : memref<128x64xf32, #tpu.memory_space<vmem>>, vector<16xf32>,
        %parallel_loop3A_597 = arith.addf %parallel_loop3A_596, %get3A_299 : vector<16xf32>
        tpu.vector_store_idx %arg10[%add3A_3, %parallel_loop3A_593], %parallel_loop3A_597 : memref<64x129xf32, #tpu.memory_space<vmem>>[vector<16xi32>, vector<16xi32>], vector<16xf32>,
        %parallel_loop3A_598 = arith.index_cast %parallel_loop3A_588 : i32 to index
        %parallel_loop3A_599 = arith.constant 16 : index
        %parallel_loop3A_600 = tpu.vector_load %arg8[%parallel_loop3A_598, %parallel_loop3A_599] {strides = array<i32>} : memref<128x64xf32, #tpu.memory_space<vmem>>, vector<16xf32>,
        %parallel_loop3A_601 = arith.addf %parallel_loop3A_600, %get3A_302 : vector<16xf32>
        tpu.vector_store_idx %arg10[%add3A_6, %parallel_loop3A_593], %parallel_loop3A_601 : memref<64x129xf32, #tpu.memory_space<vmem>>[vector<16xi32>, vector<16xi32>], vector<16xf32>,
        %parallel_loop3A_602 = arith.index_cast %parallel_loop3A_588 : i32 to index
        %parallel_loop3A_603 = arith.constant 32 : index
        %parallel_loop3A_604 = tpu.vector_load %arg8[%parallel_loop3A_602, %parallel_loop3A_603] {strides = array<i32>} : memref<128x64xf32, #tpu.memory_space<vmem>>, vector<16xf32>,
        %parallel_loop3A_605 = arith.addf %parallel_loop3A_604, %get3A_305 : vector<16xf32>
        tpu.vector_store_idx %arg10[%add3A_9, %parallel_loop3A_593], %parallel_loop3A_605 : memref<64x129xf32, #tpu.memory_space<vmem>>[vector<16xi32>, vector<16xi32>], vector<16xf32>,
        %parallel_loop3A_606 = arith.index_cast %parallel_loop3A_588 : i32 to index
        %parallel_loop3A_607 = arith.constant 48 : index
        %parallel_loop3A_608 = tpu.vector_load %arg8[%parallel_loop3A_606, %parallel_loop3A_607] {strides = array<i32>} : memref<128x64xf32, #tpu.memory_space<vmem>>, vector<16xf32>,
        %parallel_loop3A_609 = arith.addf %parallel_loop3A_608, %get3A_308 : vector<16xf32>
        tpu.vector_store_idx %arg10[%add3A_12, %parallel_loop3A_593], %parallel_loop3A_609 : memref<64x129xf32, #tpu.memory_space<vmem>>[vector<16xi32>, vector<16xi32>], vector<16xf32>,
      } {sc.loop_unroll_factor = 4 : i64, sc.parallel_access}
      %dma_start3A_311 = arith.constant 0 : i32
      %dma_start3A_312 = arith.constant 0 : i32
      %dma_start3A_313 = arith.constant 0 : i32
      %dma_start3A_314 = tpu.memref_slice %arg10[%dma_start3A_312, %dma_start3A_313] : memref<64x129xf32, #tpu.memory_space<vmem>> -> memref<8x128xf32, #tpu.memory_space<vmem>>
      %dma_start3A_315 = arith.constant 0 : i32
      %dma_start3A_316 = arith.constant 0 : i32
      %dma_start3A_317 = tpu.memref_slice %arg5[%add3A_283, %dma_start3A_311, %add3A, %dma_start3A_315, %dma_start3A_316] : memref<200x8x32x8x128xf32, #tpu.memory_space<hbm>> -> memref<1x1x1x8x128xf32, #tpu.memory_space<hbm>>
      %dma_start3A_318 = tpu.memref_squeeze %dma_start3A_317 : memref<1x1x1x8x128xf32, #tpu.memory_space<hbm>> -> memref<8x128xf32, #tpu.memory_space<hbm>>
      %dma_start3A_319 = arith.constant 0 : i32
      %dma_start3A_320 = arith.constant 0 : i32
      %dma_start3A_321 = tpu.memref_slice %arg5[%add3A_283, %dma_start3A_311, %add3A, %dma_start3A_319, %dma_start3A_320] : memref<200x8x32x8x128xf32, #tpu.memory_space<hbm>> -> memref<1x1x1x8x128xf32, #tpu.memory_space<hbm>>
      %dma_start3A_322 = tpu.memref_squeeze %dma_start3A_321 : memref<1x1x1x8x128xf32, #tpu.memory_space<hbm>> -> memref<8x128xf32, #tpu.memory_space<hbm>>
      %dma_start3A_323 = arith.constant 0 : i32
      %dma_start3A_324 = arith.constant 0 : i32
      %dma_start3A_325 = tpu.memref_slice %arg10[%dma_start3A_323, %dma_start3A_324] : memref<64x129xf32, #tpu.memory_space<vmem>> -> memref<8x128xf32, #tpu.memory_space<vmem>>
      tpu.enqueue_dma source(%dma_start3A_325 : memref<8x128xf32, #tpu.memory_space<vmem>>) target(%dma_start3A_322 : memref<8x128xf32, #tpu.memory_space<hbm>>) target_semaphore(%arg14 : memref<!tpu.dma_semaphore, #tpu.memory_space<semaphore_mem>>)
      %dma_start3A_326 = arith.constant 1 : i32
      %dma_start3A_327 = arith.constant 8 : i32
      %dma_start3A_328 = arith.constant 0 : i32
      %dma_start3A_329 = tpu.memref_slice %arg10[%dma_start3A_327, %dma_start3A_328] : memref<64x129xf32, #tpu.memory_space<vmem>> -> memref<8x128xf32, #tpu.memory_space<vmem>>
      %dma_start3A_330 = arith.constant 0 : i32
      %dma_start3A_331 = arith.constant 0 : i32
      %dma_start3A_332 = tpu.memref_slice %arg5[%add3A_283, %dma_start3A_326, %add3A, %dma_start3A_330, %dma_start3A_331] : memref<200x8x32x8x128xf32, #tpu.memory_space<hbm>> -> memref<1x1x1x8x128xf32, #tpu.memory_space<hbm>>
      %dma_start3A_333 = tpu.memref_squeeze %dma_start3A_332 : memref<1x1x1x8x128xf32, #tpu.memory_space<hbm>> -> memref<8x128xf32, #tpu.memory_space<hbm>>
      %dma_start3A_334 = arith.constant 0 : i32
      %dma_start3A_335 = arith.constant 0 : i32
      %dma_start3A_336 = tpu.memref_slice %arg5[%add3A_283, %dma_start3A_326, %add3A, %dma_start3A_334, %dma_start3A_335] : memref<200x8x32x8x128xf32, #tpu.memory_space<hbm>> -> memref<1x1x1x8x128xf32, #tpu.memory_space<hbm>>
      %dma_start3A_337 = tpu.memref_squeeze %dma_start3A_336 : memref<1x1x1x8x128xf32, #tpu.memory_space<hbm>> -> memref<8x128xf32, #tpu.memory_space<hbm>>
      %dma_start3A_338 = arith.constant 8 : i32
      %dma_start3A_339 = arith.constant 0 : i32
      %dma_start3A_340 = tpu.memref_slice %arg10[%dma_start3A_338, %dma_start3A_339] : memref<64x129xf32, #tpu.memory_space<vmem>> -> memref<8x128xf32, #tpu.memory_space<vmem>>
      tpu.enqueue_dma source(%dma_start3A_340 : memref<8x128xf32, #tpu.memory_space<vmem>>) target(%dma_start3A_337 : memref<8x128xf32, #tpu.memory_space<hbm>>) target_semaphore(%arg14 : memref<!tpu.dma_semaphore, #tpu.memory_space<semaphore_mem>>)
      %dma_start3A_341 = arith.constant 2 : i32
      %dma_start3A_342 = arith.constant 16 : i32
      %dma_start3A_343 = arith.constant 0 : i32
      %dma_start3A_344 = tpu.memref_slice %arg10[%dma_start3A_342, %dma_start3A_343] : memref<64x129xf32, #tpu.memory_space<vmem>> -> memref<8x128xf32, #tpu.memory_space<vmem>>
      %dma_start3A_345 = arith.constant 0 : i32
      %dma_start3A_346 = arith.constant 0 : i32
      %dma_start3A_347 = tpu.memref_slice %arg5[%add3A_283, %dma_start3A_341, %add3A, %dma_start3A_345, %dma_start3A_346] : memref<200x8x32x8x128xf32, #tpu.memory_space<hbm>> -> memref<1x1x1x8x128xf32, #tpu.memory_space<hbm>>
      %dma_start3A_348 = tpu.memref_squeeze %dma_start3A_347 : memref<1x1x1x8x128xf32, #tpu.memory_space<hbm>> -> memref<8x128xf32, #tpu.memory_space<hbm>>
      %dma_start3A_349 = arith.constant 0 : i32
      %dma_start3A_350 = arith.constant 0 : i32
      %dma_start3A_351 = tpu.memref_slice %arg5[%add3A_283, %dma_start3A_341, %add3A, %dma_start3A_349, %dma_start3A_350] : memref<200x8x32x8x128xf32, #tpu.memory_space<hbm>> -> memref<1x1x1x8x128xf32, #tpu.memory_space<hbm>>
      %dma_start3A_352 = tpu.memref_squeeze %dma_start3A_351 : memref<1x1x1x8x128xf32, #tpu.memory_space<hbm>> -> memref<8x128xf32, #tpu.memory_space<hbm>>
      %dma_start3A_353 = arith.constant 16 : i32
      %dma_start3A_354 = arith.constant 0 : i32
      %dma_start3A_355 = tpu.memref_slice %arg10[%dma_start3A_353, %dma_start3A_354] : memref<64x129xf32, #tpu.memory_space<vmem>> -> memref<8x128xf32, #tpu.memory_space<vmem>>
      tpu.enqueue_dma source(%dma_start3A_355 : memref<8x128xf32, #tpu.memory_space<vmem>>) target(%dma_start3A_352 : memref<8x128xf32, #tpu.memory_space<hbm>>) target_semaphore(%arg14 : memref<!tpu.dma_semaphore, #tpu.memory_space<semaphore_mem>>)
      %dma_start3A_356 = arith.constant 3 : i32
      %dma_start3A_357 = arith.constant 24 : i32
      %dma_start3A_358 = arith.constant 0 : i32
      %dma_start3A_359 = tpu.memref_slice %arg10[%dma_start3A_357, %dma_start3A_358] : memref<64x129xf32, #tpu.memory_space<vmem>> -> memref<8x128xf32, #tpu.memory_space<vmem>>
      %dma_start3A_360 = arith.constant 0 : i32
      %dma_start3A_361 = arith.constant 0 : i32
      %dma_start3A_362 = tpu.memref_slice %arg5[%add3A_283, %dma_start3A_356, %add3A, %dma_start3A_360, %dma_start3A_361] : memref<200x8x32x8x128xf32, #tpu.memory_space<hbm>> -> memref<1x1x1x8x128xf32, #tpu.memory_space<hbm>>
      %dma_start3A_363 = tpu.memref_squeeze %dma_start3A_362 : memref<1x1x1x8x128xf32, #tpu.memory_space<hbm>> -> memref<8x128xf32, #tpu.memory_space<hbm>>
      %dma_start3A_364 = arith.constant 0 : i32
      %dma_start3A_365 = arith.constant 0 : i32
      %dma_start3A_366 = tpu.memref_slice %arg5[%add3A_283, %dma_start3A_356, %add3A, %dma_start3A_364, %dma_start3A_365] : memref<200x8x32x8x128xf32, #tpu.memory_space<hbm>> -> memref<1x1x1x8x128xf32, #tpu.memory_space<hbm>>
      %dma_start3A_367 = tpu.memref_squeeze %dma_start3A_366 : memref<1x1x1x8x128xf32, #tpu.memory_space<hbm>> -> memref<8x128xf32, #tpu.memory_space<hbm>>
      %dma_start3A_368 = arith.constant 24 : i32
      %dma_start3A_369 = arith.constant 0 : i32
      %dma_start3A_370 = tpu.memref_slice %arg10[%dma_start3A_368, %dma_start3A_369] : memref<64x129xf32, #tpu.memory_space<vmem>> -> memref<8x128xf32, #tpu.memory_space<vmem>>
      tpu.enqueue_dma source(%dma_start3A_370 : memref<8x128xf32, #tpu.memory_space<vmem>>) target(%dma_start3A_367 : memref<8x128xf32, #tpu.memory_space<hbm>>) target_semaphore(%arg14 : memref<!tpu.dma_semaphore, #tpu.memory_space<semaphore_mem>>)
      %dma_start3A_371 = arith.constant 4 : i32
      %dma_start3A_372 = arith.constant 32 : i32
      %dma_start3A_373 = arith.constant 0 : i32
      %dma_start3A_374 = tpu.memref_slice %arg10[%dma_start3A_372, %dma_start3A_373] : memref<64x129xf32, #tpu.memory_space<vmem>> -> memref<8x128xf32, #tpu.memory_space<vmem>>
      %dma_start3A_375 = arith.constant 0 : i32
      %dma_start3A_376 = arith.constant 0 : i32
      %dma_start3A_377 = tpu.memref_slice %arg5[%add3A_283, %dma_start3A_371, %add3A, %dma_start3A_375, %dma_start3A_376] : memref<200x8x32x8x128xf32, #tpu.memory_space<hbm>> -> memref<1x1x1x8x128xf32, #tpu.memory_space<hbm>>
      %dma_start3A_378 = tpu.memref_squeeze %dma_start3A_377 : memref<1x1x1x8x128xf32, #tpu.memory_space<hbm>> -> memref<8x128xf32, #tpu.memory_space<hbm>>
      %dma_start3A_379 = arith.constant 0 : i32
      %dma_start3A_380 = arith.constant 0 : i32
      %dma_start3A_381 = tpu.memref_slice %arg5[%add3A_283, %dma_start3A_371, %add3A, %dma_start3A_379, %dma_start3A_380] : memref<200x8x32x8x128xf32, #tpu.memory_space<hbm>> -> memref<1x1x1x8x128xf32, #tpu.memory_space<hbm>>
      %dma_start3A_382 = tpu.memref_squeeze %dma_start3A_381 : memref<1x1x1x8x128xf32, #tpu.memory_space<hbm>> -> memref<8x128xf32, #tpu.memory_space<hbm>>
      %dma_start3A_383 = arith.constant 32 : i32
      %dma_start3A_384 = arith.constant 0 : i32
      %dma_start3A_385 = tpu.memref_slice %arg10[%dma_start3A_383, %dma_start3A_384] : memref<64x129xf32, #tpu.memory_space<vmem>> -> memref<8x128xf32, #tpu.memory_space<vmem>>
      tpu.enqueue_dma source(%dma_start3A_385 : memref<8x128xf32, #tpu.memory_space<vmem>>) target(%dma_start3A_382 : memref<8x128xf32, #tpu.memory_space<hbm>>) target_semaphore(%arg14 : memref<!tpu.dma_semaphore, #tpu.memory_space<semaphore_mem>>)
      %dma_start3A_386 = arith.constant 5 : i32
      %dma_start3A_387 = arith.constant 40 : i32
      %dma_start3A_388 = arith.constant 0 : i32
      %dma_start3A_389 = tpu.memref_slice %arg10[%dma_start3A_387, %dma_start3A_388] : memref<64x129xf32, #tpu.memory_space<vmem>> -> memref<8x128xf32, #tpu.memory_space<vmem>>
      %dma_start3A_390 = arith.constant 0 : i32
      %dma_start3A_391 = arith.constant 0 : i32
      %dma_start3A_392 = tpu.memref_slice %arg5[%add3A_283, %dma_start3A_386, %add3A, %dma_start3A_390, %dma_start3A_391] : memref<200x8x32x8x128xf32, #tpu.memory_space<hbm>> -> memref<1x1x1x8x128xf32, #tpu.memory_space<hbm>>
      %dma_start3A_393 = tpu.memref_squeeze %dma_start3A_392 : memref<1x1x1x8x128xf32, #tpu.memory_space<hbm>> -> memref<8x128xf32, #tpu.memory_space<hbm>>
      %dma_start3A_394 = arith.constant 0 : i32
      %dma_start3A_395 = arith.constant 0 : i32
      %dma_start3A_396 = tpu.memref_slice %arg5[%add3A_283, %dma_start3A_386, %add3A, %dma_start3A_394, %dma_start3A_395] : memref<200x8x32x8x128xf32, #tpu.memory_space<hbm>> -> memref<1x1x1x8x128xf32, #tpu.memory_space<hbm>>
      %dma_start3A_397 = tpu.memref_squeeze %dma_start3A_396 : memref<1x1x1x8x128xf32, #tpu.memory_space<hbm>> -> memref<8x128xf32, #tpu.memory_space<hbm>>
      %dma_start3A_398 = arith.constant 40 : i32
      %dma_start3A_399 = arith.constant 0 : i32
      %dma_start3A_400 = tpu.memref_slice %arg10[%dma_start3A_398, %dma_start3A_399] : memref<64x129xf32, #tpu.memory_space<vmem>> -> memref<8x128xf32, #tpu.memory_space<vmem>>
      tpu.enqueue_dma source(%dma_start3A_400 : memref<8x128xf32, #tpu.memory_space<vmem>>) target(%dma_start3A_397 : memref<8x128xf32, #tpu.memory_space<hbm>>) target_semaphore(%arg14 : memref<!tpu.dma_semaphore, #tpu.memory_space<semaphore_mem>>)
      %dma_start3A_401 = arith.constant 6 : i32
      %dma_start3A_402 = arith.constant 48 : i32
      %dma_start3A_403 = arith.constant 0 : i32
      %dma_start3A_404 = tpu.memref_slice %arg10[%dma_start3A_402, %dma_start3A_403] : memref<64x129xf32, #tpu.memory_space<vmem>> -> memref<8x128xf32, #tpu.memory_space<vmem>>
      %dma_start3A_405 = arith.constant 0 : i32
      %dma_start3A_406 = arith.constant 0 : i32
      %dma_start3A_407 = tpu.memref_slice %arg5[%add3A_283, %dma_start3A_401, %add3A, %dma_start3A_405, %dma_start3A_406] : memref<200x8x32x8x128xf32, #tpu.memory_space<hbm>> -> memref<1x1x1x8x128xf32, #tpu.memory_space<hbm>>
      %dma_start3A_408 = tpu.memref_squeeze %dma_start3A_407 : memref<1x1x1x8x128xf32, #tpu.memory_space<hbm>> -> memref<8x128xf32, #tpu.memory_space<hbm>>
      %dma_start3A_409 = arith.constant 0 : i32
      %dma_start3A_410 = arith.constant 0 : i32
      %dma_start3A_411 = tpu.memref_slice %arg5[%add3A_283, %dma_start3A_401, %add3A, %dma_start3A_409, %dma_start3A_410] : memref<200x8x32x8x128xf32, #tpu.memory_space<hbm>> -> memref<1x1x1x8x128xf32, #tpu.memory_space<hbm>>
      %dma_start3A_412 = tpu.memref_squeeze %dma_start3A_411 : memref<1x1x1x8x128xf32, #tpu.memory_space<hbm>> -> memref<8x128xf32, #tpu.memory_space<hbm>>
      %dma_start3A_413 = arith.constant 48 : i32
      %dma_start3A_414 = arith.constant 0 : i32
      %dma_start3A_415 = tpu.memref_slice %arg10[%dma_start3A_413, %dma_start3A_414] : memref<64x129xf32, #tpu.memory_space<vmem>> -> memref<8x128xf32, #tpu.memory_space<vmem>>
      tpu.enqueue_dma source(%dma_start3A_415 : memref<8x128xf32, #tpu.memory_space<vmem>>) target(%dma_start3A_412 : memref<8x128xf32, #tpu.memory_space<hbm>>) target_semaphore(%arg14 : memref<!tpu.dma_semaphore, #tpu.memory_space<semaphore_mem>>)
      %dma_start3A_416 = arith.constant 7 : i32
      %dma_start3A_417 = arith.constant 56 : i32
      %dma_start3A_418 = arith.constant 0 : i32
      %dma_start3A_419 = tpu.memref_slice %arg10[%dma_start3A_417, %dma_start3A_418] : memref<64x129xf32, #tpu.memory_space<vmem>> -> memref<8x128xf32, #tpu.memory_space<vmem>>
      %dma_start3A_420 = arith.constant 0 : i32
      %dma_start3A_421 = arith.constant 0 : i32
      %dma_start3A_422 = tpu.memref_slice %arg5[%add3A_283, %dma_start3A_416, %add3A, %dma_start3A_420, %dma_start3A_421] : memref<200x8x32x8x128xf32, #tpu.memory_space<hbm>> -> memref<1x1x1x8x128xf32, #tpu.memory_space<hbm>>
      %dma_start3A_423 = tpu.memref_squeeze %dma_start3A_422 : memref<1x1x1x8x128xf32, #tpu.memory_space<hbm>> -> memref<8x128xf32, #tpu.memory_space<hbm>>
      %dma_start3A_424 = arith.constant 0 : i32
      %dma_start3A_425 = arith.constant 0 : i32
      %dma_start3A_426 = tpu.memref_slice %arg5[%add3A_283, %dma_start3A_416, %add3A, %dma_start3A_424, %dma_start3A_425] : memref<200x8x32x8x128xf32, #tpu.memory_space<hbm>> -> memref<1x1x1x8x128xf32, #tpu.memory_space<hbm>>
      %dma_start3A_427 = tpu.memref_squeeze %dma_start3A_426 : memref<1x1x1x8x128xf32, #tpu.memory_space<hbm>> -> memref<8x128xf32, #tpu.memory_space<hbm>>
      %dma_start3A_428 = arith.constant 56 : i32
      %dma_start3A_429 = arith.constant 0 : i32
      %dma_start3A_430 = tpu.memref_slice %arg10[%dma_start3A_428, %dma_start3A_429] : memref<64x129xf32, #tpu.memory_space<vmem>> -> memref<8x128xf32, #tpu.memory_space<vmem>>
      tpu.enqueue_dma source(%dma_start3A_430 : memref<8x128xf32, #tpu.memory_space<vmem>>) target(%dma_start3A_427 : memref<8x128xf32, #tpu.memory_space<hbm>>) target_semaphore(%arg14 : memref<!tpu.dma_semaphore, #tpu.memory_space<semaphore_mem>>)
      %mul3A_431 = arith.constant 2 : i32
      %mul3A_432 = arith.muli %scan3A_279, %mul3A_431 : i32
      %add3A_433 = arith.constant 1 : i32
      %add3A_434 = arith.addi %mul3A_432, %add3A_433 : i32
      %add3A_435 = arith.constant 1 : i32
      %add3A_436 = arith.addi %add3A_434, %add3A_435 : i32
      %lt3A_437 = arith.constant 200 : i32
      %lt3A_438 = arith.cmpi slt, %add3A_436, %lt3A_437 : i32
      %convert_element_type3A_439 = arith.extui %lt3A_438 : i1 to i32
      %cond3A_440 = arith.constant 0 : i32
      %cond3A_441 = arith.cmpi ne, %convert_element_type3A_439, %cond3A_440 : i32
      scf.if %cond3A_441 {
        %add3A_588 = arith.constant 1 : i32
        %add3A_589 = arith.addi %add3A_434, %add3A_588 : i32
        %dma_start3A_590 = arith.constant 0 : i32
        %dma_start3A_591 = tpu.memref_slice %arg6[%add3A_589, %dma_start3A_590] : memref<200x128xi32, #tpu.memory_space<vmem>> -> memref<1x128xi32, #tpu.memory_space<vmem>>
        %dma_start3A_592 = tpu.memref_squeeze %dma_start3A_591 : memref<1x128xi32, #tpu.memory_space<vmem>> -> memref<128xi32, #tpu.memory_space<vmem>>
        %dma_start3A_593 = arith.constant 0 : i32
        %dma_start3A_594 = arith.constant 0 : i32
        %dma_start3A_595 = tpu.memref_slice %arg3[%dma_start3A_593, %dma_start3A_594] : memref<100000x64xf32, #tpu.memory_space<hbm>> -> memref<100000x64xf32, #tpu.memory_space<hbm>>
        tpu.enqueue_indirect_dma source(%dma_start3A_595 : memref<100000x64xf32, #tpu.memory_space<hbm>>) target(%arg8 : memref<128x64xf32, #tpu.memory_space<vmem>>) offsets(%dma_start3A_592 : memref<128xi32, #tpu.memory_space<vmem>>) semaphore(%arg12 : memref<!tpu.dma_semaphore, #tpu.memory_space<semaphore_mem>>)
      } else {
      }
      %dma_wait3A_442 = arith.constant 0 : i32
      %dma_wait3A_443 = arith.constant 0 : i32
      %dma_wait3A_444 = tpu.memref_slice %arg3[%dma_wait3A_442, %dma_wait3A_443] : memref<100000x64xf32, #tpu.memory_space<hbm>> -> memref<128x64xf32, #tpu.memory_space<hbm>>
      %dma_wait3A_445 = arith.constant 0 : i32
      %dma_wait3A_446 = arith.constant 0 : i32
      %dma_wait3A_447 = tpu.memref_slice %arg3[%dma_wait3A_445, %dma_wait3A_446] : memref<100000x64xf32, #tpu.memory_space<hbm>> -> memref<128x64xf32, #tpu.memory_space<hbm>>
      tpu.wait_dma2 semaphore(%arg13 : memref<!tpu.dma_semaphore, #tpu.memory_space<semaphore_mem>>) src(%dma_wait3A_447 : memref<128x64xf32, #tpu.memory_space<hbm>>) dst(%arg9 : memref<128x64xf32, #tpu.memory_space<vmem>>)
      %ge3A_448 = arith.constant 2 : i32
      %ge3A_449 = arith.cmpi sge, %add3A_434, %ge3A_448 : i32
      %convert_element_type3A_450 = arith.extui %ge3A_449 : i1 to i32
      %cond3A_451 = arith.constant 0 : i32
      %cond3A_452 = arith.cmpi ne, %convert_element_type3A_450, %cond3A_451 : i32
      scf.if %cond3A_452 {
        %sub3A = arith.constant 2 : i32
        %sub3A_588 = arith.subi %add3A_434, %sub3A : i32
        %dma_wait3A_589 = arith.constant 0 : i32
        %dma_wait3A_590 = arith.constant 0 : i32
        %dma_wait3A_591 = arith.constant 0 : i32
        %dma_wait3A_592 = tpu.memref_slice %arg11[%dma_wait3A_590, %dma_wait3A_591] : memref<64x129xf32, #tpu.memory_space<vmem>> -> memref<8x128xf32, #tpu.memory_space<vmem>>
        %dma_wait3A_593 = arith.constant 0 : i32
        %dma_wait3A_594 = arith.constant 0 : i32
        %dma_wait3A_595 = tpu.memref_slice %arg5[%sub3A_588, %dma_wait3A_589, %add3A, %dma_wait3A_593, %dma_wait3A_594] : memref<200x8x32x8x128xf32, #tpu.memory_space<hbm>> -> memref<1x1x1x8x128xf32, #tpu.memory_space<hbm>>
        %dma_wait3A_596 = tpu.memref_squeeze %dma_wait3A_595 : memref<1x1x1x8x128xf32, #tpu.memory_space<hbm>> -> memref<8x128xf32, #tpu.memory_space<hbm>>
        %dma_wait3A_597 = arith.constant 0 : i32
        %dma_wait3A_598 = arith.constant 0 : i32
        %dma_wait3A_599 = tpu.memref_slice %arg5[%sub3A_588, %dma_wait3A_589, %add3A, %dma_wait3A_597, %dma_wait3A_598] : memref<200x8x32x8x128xf32, #tpu.memory_space<hbm>> -> memref<1x1x1x8x128xf32, #tpu.memory_space<hbm>>
        %dma_wait3A_600 = tpu.memref_squeeze %dma_wait3A_599 : memref<1x1x1x8x128xf32, #tpu.memory_space<hbm>> -> memref<8x128xf32, #tpu.memory_space<hbm>>
        %dma_wait3A_601 = arith.constant 0 : i32
        %dma_wait3A_602 = arith.constant 0 : i32
        %dma_wait3A_603 = tpu.memref_slice %arg11[%dma_wait3A_601, %dma_wait3A_602] : memref<64x129xf32, #tpu.memory_space<vmem>> -> memref<8x128xf32, #tpu.memory_space<vmem>>
        tpu.wait_dma2 semaphore(%arg15 : memref<!tpu.dma_semaphore, #tpu.memory_space<semaphore_mem>>) src(%dma_wait3A_603 : memref<8x128xf32, #tpu.memory_space<vmem>>) dst(%dma_wait3A_600 : memref<8x128xf32, #tpu.memory_space<hbm>>)
        %dma_wait3A_604 = arith.constant 1 : i32
        %dma_wait3A_605 = arith.constant 8 : i32
        %dma_wait3A_606 = arith.constant 0 : i32
        %dma_wait3A_607 = tpu.memref_slice %arg11[%dma_wait3A_605, %dma_wait3A_606] : memref<64x129xf32, #tpu.memory_space<vmem>> -> memref<8x128xf32, #tpu.memory_space<vmem>>
        %dma_wait3A_608 = arith.constant 0 : i32
        %dma_wait3A_609 = arith.constant 0 : i32
        %dma_wait3A_610 = tpu.memref_slice %arg5[%sub3A_588, %dma_wait3A_604, %add3A, %dma_wait3A_608, %dma_wait3A_609] : memref<200x8x32x8x128xf32, #tpu.memory_space<hbm>> -> memref<1x1x1x8x128xf32, #tpu.memory_space<hbm>>
        %dma_wait3A_611 = tpu.memref_squeeze %dma_wait3A_610 : memref<1x1x1x8x128xf32, #tpu.memory_space<hbm>> -> memref<8x128xf32, #tpu.memory_space<hbm>>
        %dma_wait3A_612 = arith.constant 0 : i32
        %dma_wait3A_613 = arith.constant 0 : i32
        %dma_wait3A_614 = tpu.memref_slice %arg5[%sub3A_588, %dma_wait3A_604, %add3A, %dma_wait3A_612, %dma_wait3A_613] : memref<200x8x32x8x128xf32, #tpu.memory_space<hbm>> -> memref<1x1x1x8x128xf32, #tpu.memory_space<hbm>>
        %dma_wait3A_615 = tpu.memref_squeeze %dma_wait3A_614 : memref<1x1x1x8x128xf32, #tpu.memory_space<hbm>> -> memref<8x128xf32, #tpu.memory_space<hbm>>
        %dma_wait3A_616 = arith.constant 8 : i32
        %dma_wait3A_617 = arith.constant 0 : i32
        %dma_wait3A_618 = tpu.memref_slice %arg11[%dma_wait3A_616, %dma_wait3A_617] : memref<64x129xf32, #tpu.memory_space<vmem>> -> memref<8x128xf32, #tpu.memory_space<vmem>>
        tpu.wait_dma2 semaphore(%arg15 : memref<!tpu.dma_semaphore, #tpu.memory_space<semaphore_mem>>) src(%dma_wait3A_618 : memref<8x128xf32, #tpu.memory_space<vmem>>) dst(%dma_wait3A_615 : memref<8x128xf32, #tpu.memory_space<hbm>>)
        %dma_wait3A_619 = arith.constant 2 : i32
        %dma_wait3A_620 = arith.constant 16 : i32
        %dma_wait3A_621 = arith.constant 0 : i32
        %dma_wait3A_622 = tpu.memref_slice %arg11[%dma_wait3A_620, %dma_wait3A_621] : memref<64x129xf32, #tpu.memory_space<vmem>> -> memref<8x128xf32, #tpu.memory_space<vmem>>
        %dma_wait3A_623 = arith.constant 0 : i32
        %dma_wait3A_624 = arith.constant 0 : i32
        %dma_wait3A_625 = tpu.memref_slice %arg5[%sub3A_588, %dma_wait3A_619, %add3A, %dma_wait3A_623, %dma_wait3A_624] : memref<200x8x32x8x128xf32, #tpu.memory_space<hbm>> -> memref<1x1x1x8x128xf32, #tpu.memory_space<hbm>>
        %dma_wait3A_626 = tpu.memref_squeeze %dma_wait3A_625 : memref<1x1x1x8x128xf32, #tpu.memory_space<hbm>> -> memref<8x128xf32, #tpu.memory_space<hbm>>
        %dma_wait3A_627 = arith.constant 0 : i32
        %dma_wait3A_628 = arith.constant 0 : i32
        %dma_wait3A_629 = tpu.memref_slice %arg5[%sub3A_588, %dma_wait3A_619, %add3A, %dma_wait3A_627, %dma_wait3A_628] : memref<200x8x32x8x128xf32, #tpu.memory_space<hbm>> -> memref<1x1x1x8x128xf32, #tpu.memory_space<hbm>>
        %dma_wait3A_630 = tpu.memref_squeeze %dma_wait3A_629 : memref<1x1x1x8x128xf32, #tpu.memory_space<hbm>> -> memref<8x128xf32, #tpu.memory_space<hbm>>
        %dma_wait3A_631 = arith.constant 16 : i32
        %dma_wait3A_632 = arith.constant 0 : i32
        %dma_wait3A_633 = tpu.memref_slice %arg11[%dma_wait3A_631, %dma_wait3A_632] : memref<64x129xf32, #tpu.memory_space<vmem>> -> memref<8x128xf32, #tpu.memory_space<vmem>>
        tpu.wait_dma2 semaphore(%arg15 : memref<!tpu.dma_semaphore, #tpu.memory_space<semaphore_mem>>) src(%dma_wait3A_633 : memref<8x128xf32, #tpu.memory_space<vmem>>) dst(%dma_wait3A_630 : memref<8x128xf32, #tpu.memory_space<hbm>>)
        %dma_wait3A_634 = arith.constant 3 : i32
        %dma_wait3A_635 = arith.constant 24 : i32
        %dma_wait3A_636 = arith.constant 0 : i32
        %dma_wait3A_637 = tpu.memref_slice %arg11[%dma_wait3A_635, %dma_wait3A_636] : memref<64x129xf32, #tpu.memory_space<vmem>> -> memref<8x128xf32, #tpu.memory_space<vmem>>
        %dma_wait3A_638 = arith.constant 0 : i32
        %dma_wait3A_639 = arith.constant 0 : i32
        %dma_wait3A_640 = tpu.memref_slice %arg5[%sub3A_588, %dma_wait3A_634, %add3A, %dma_wait3A_638, %dma_wait3A_639] : memref<200x8x32x8x128xf32, #tpu.memory_space<hbm>> -> memref<1x1x1x8x128xf32, #tpu.memory_space<hbm>>
        %dma_wait3A_641 = tpu.memref_squeeze %dma_wait3A_640 : memref<1x1x1x8x128xf32, #tpu.memory_space<hbm>> -> memref<8x128xf32, #tpu.memory_space<hbm>>
        %dma_wait3A_642 = arith.constant 0 : i32
        %dma_wait3A_643 = arith.constant 0 : i32
        %dma_wait3A_644 = tpu.memref_slice %arg5[%sub3A_588, %dma_wait3A_634, %add3A, %dma_wait3A_642, %dma_wait3A_643] : memref<200x8x32x8x128xf32, #tpu.memory_space<hbm>> -> memref<1x1x1x8x128xf32, #tpu.memory_space<hbm>>
        %dma_wait3A_645 = tpu.memref_squeeze %dma_wait3A_644 : memref<1x1x1x8x128xf32, #tpu.memory_space<hbm>> -> memref<8x128xf32, #tpu.memory_space<hbm>>
        %dma_wait3A_646 = arith.constant 24 : i32
        %dma_wait3A_647 = arith.constant 0 : i32
        %dma_wait3A_648 = tpu.memref_slice %arg11[%dma_wait3A_646, %dma_wait3A_647] : memref<64x129xf32, #tpu.memory_space<vmem>> -> memref<8x128xf32, #tpu.memory_space<vmem>>
        tpu.wait_dma2 semaphore(%arg15 : memref<!tpu.dma_semaphore, #tpu.memory_space<semaphore_mem>>) src(%dma_wait3A_648 : memref<8x128xf32, #tpu.memory_space<vmem>>) dst(%dma_wait3A_645 : memref<8x128xf32, #tpu.memory_space<hbm>>)
        %dma_wait3A_649 = arith.constant 4 : i32
        %dma_wait3A_650 = arith.constant 32 : i32
        %dma_wait3A_651 = arith.constant 0 : i32
        %dma_wait3A_652 = tpu.memref_slice %arg11[%dma_wait3A_650, %dma_wait3A_651] : memref<64x129xf32, #tpu.memory_space<vmem>> -> memref<8x128xf32, #tpu.memory_space<vmem>>
        %dma_wait3A_653 = arith.constant 0 : i32
        %dma_wait3A_654 = arith.constant 0 : i32
        %dma_wait3A_655 = tpu.memref_slice %arg5[%sub3A_588, %dma_wait3A_649, %add3A, %dma_wait3A_653, %dma_wait3A_654] : memref<200x8x32x8x128xf32, #tpu.memory_space<hbm>> -> memref<1x1x1x8x128xf32, #tpu.memory_space<hbm>>
        %dma_wait3A_656 = tpu.memref_squeeze %dma_wait3A_655 : memref<1x1x1x8x128xf32, #tpu.memory_space<hbm>> -> memref<8x128xf32, #tpu.memory_space<hbm>>
        %dma_wait3A_657 = arith.constant 0 : i32
        %dma_wait3A_658 = arith.constant 0 : i32
        %dma_wait3A_659 = tpu.memref_slice %arg5[%sub3A_588, %dma_wait3A_649, %add3A, %dma_wait3A_657, %dma_wait3A_658] : memref<200x8x32x8x128xf32, #tpu.memory_space<hbm>> -> memref<1x1x1x8x128xf32, #tpu.memory_space<hbm>>
        %dma_wait3A_660 = tpu.memref_squeeze %dma_wait3A_659 : memref<1x1x1x8x128xf32, #tpu.memory_space<hbm>> -> memref<8x128xf32, #tpu.memory_space<hbm>>
        %dma_wait3A_661 = arith.constant 32 : i32
        %dma_wait3A_662 = arith.constant 0 : i32
        %dma_wait3A_663 = tpu.memref_slice %arg11[%dma_wait3A_661, %dma_wait3A_662] : memref<64x129xf32, #tpu.memory_space<vmem>> -> memref<8x128xf32, #tpu.memory_space<vmem>>
        tpu.wait_dma2 semaphore(%arg15 : memref<!tpu.dma_semaphore, #tpu.memory_space<semaphore_mem>>) src(%dma_wait3A_663 : memref<8x128xf32, #tpu.memory_space<vmem>>) dst(%dma_wait3A_660 : memref<8x128xf32, #tpu.memory_space<hbm>>)
        %dma_wait3A_664 = arith.constant 5 : i32
        %dma_wait3A_665 = arith.constant 40 : i32
        %dma_wait3A_666 = arith.constant 0 : i32
        %dma_wait3A_667 = tpu.memref_slice %arg11[%dma_wait3A_665, %dma_wait3A_666] : memref<64x129xf32, #tpu.memory_space<vmem>> -> memref<8x128xf32, #tpu.memory_space<vmem>>
        %dma_wait3A_668 = arith.constant 0 : i32
        %dma_wait3A_669 = arith.constant 0 : i32
        %dma_wait3A_670 = tpu.memref_slice %arg5[%sub3A_588, %dma_wait3A_664, %add3A, %dma_wait3A_668, %dma_wait3A_669] : memref<200x8x32x8x128xf32, #tpu.memory_space<hbm>> -> memref<1x1x1x8x128xf32, #tpu.memory_space<hbm>>
        %dma_wait3A_671 = tpu.memref_squeeze %dma_wait3A_670 : memref<1x1x1x8x128xf32, #tpu.memory_space<hbm>> -> memref<8x128xf32, #tpu.memory_space<hbm>>
        %dma_wait3A_672 = arith.constant 0 : i32
        %dma_wait3A_673 = arith.constant 0 : i32
        %dma_wait3A_674 = tpu.memref_slice %arg5[%sub3A_588, %dma_wait3A_664, %add3A, %dma_wait3A_672, %dma_wait3A_673] : memref<200x8x32x8x128xf32, #tpu.memory_space<hbm>> -> memref<1x1x1x8x128xf32, #tpu.memory_space<hbm>>
        %dma_wait3A_675 = tpu.memref_squeeze %dma_wait3A_674 : memref<1x1x1x8x128xf32, #tpu.memory_space<hbm>> -> memref<8x128xf32, #tpu.memory_space<hbm>>
        %dma_wait3A_676 = arith.constant 40 : i32
        %dma_wait3A_677 = arith.constant 0 : i32
        %dma_wait3A_678 = tpu.memref_slice %arg11[%dma_wait3A_676, %dma_wait3A_677] : memref<64x129xf32, #tpu.memory_space<vmem>> -> memref<8x128xf32, #tpu.memory_space<vmem>>
        tpu.wait_dma2 semaphore(%arg15 : memref<!tpu.dma_semaphore, #tpu.memory_space<semaphore_mem>>) src(%dma_wait3A_678 : memref<8x128xf32, #tpu.memory_space<vmem>>) dst(%dma_wait3A_675 : memref<8x128xf32, #tpu.memory_space<hbm>>)
        %dma_wait3A_679 = arith.constant 6 : i32
        %dma_wait3A_680 = arith.constant 48 : i32
        %dma_wait3A_681 = arith.constant 0 : i32
        %dma_wait3A_682 = tpu.memref_slice %arg11[%dma_wait3A_680, %dma_wait3A_681] : memref<64x129xf32, #tpu.memory_space<vmem>> -> memref<8x128xf32, #tpu.memory_space<vmem>>
        %dma_wait3A_683 = arith.constant 0 : i32
        %dma_wait3A_684 = arith.constant 0 : i32
        %dma_wait3A_685 = tpu.memref_slice %arg5[%sub3A_588, %dma_wait3A_679, %add3A, %dma_wait3A_683, %dma_wait3A_684] : memref<200x8x32x8x128xf32, #tpu.memory_space<hbm>> -> memref<1x1x1x8x128xf32, #tpu.memory_space<hbm>>
        %dma_wait3A_686 = tpu.memref_squeeze %dma_wait3A_685 : memref<1x1x1x8x128xf32, #tpu.memory_space<hbm>> -> memref<8x128xf32, #tpu.memory_space<hbm>>
        %dma_wait3A_687 = arith.constant 0 : i32
        %dma_wait3A_688 = arith.constant 0 : i32
        %dma_wait3A_689 = tpu.memref_slice %arg5[%sub3A_588, %dma_wait3A_679, %add3A, %dma_wait3A_687, %dma_wait3A_688] : memref<200x8x32x8x128xf32, #tpu.memory_space<hbm>> -> memref<1x1x1x8x128xf32, #tpu.memory_space<hbm>>
        %dma_wait3A_690 = tpu.memref_squeeze %dma_wait3A_689 : memref<1x1x1x8x128xf32, #tpu.memory_space<hbm>> -> memref<8x128xf32, #tpu.memory_space<hbm>>
        %dma_wait3A_691 = arith.constant 48 : i32
        %dma_wait3A_692 = arith.constant 0 : i32
        %dma_wait3A_693 = tpu.memref_slice %arg11[%dma_wait3A_691, %dma_wait3A_692] : memref<64x129xf32, #tpu.memory_space<vmem>> -> memref<8x128xf32, #tpu.memory_space<vmem>>
        tpu.wait_dma2 semaphore(%arg15 : memref<!tpu.dma_semaphore, #tpu.memory_space<semaphore_mem>>) src(%dma_wait3A_693 : memref<8x128xf32, #tpu.memory_space<vmem>>) dst(%dma_wait3A_690 : memref<8x128xf32, #tpu.memory_space<hbm>>)
        %dma_wait3A_694 = arith.constant 7 : i32
        %dma_wait3A_695 = arith.constant 56 : i32
        %dma_wait3A_696 = arith.constant 0 : i32
        %dma_wait3A_697 = tpu.memref_slice %arg11[%dma_wait3A_695, %dma_wait3A_696] : memref<64x129xf32, #tpu.memory_space<vmem>> -> memref<8x128xf32, #tpu.memory_space<vmem>>
        %dma_wait3A_698 = arith.constant 0 : i32
        %dma_wait3A_699 = arith.constant 0 : i32
        %dma_wait3A_700 = tpu.memref_slice %arg5[%sub3A_588, %dma_wait3A_694, %add3A, %dma_wait3A_698, %dma_wait3A_699] : memref<200x8x32x8x128xf32, #tpu.memory_space<hbm>> -> memref<1x1x1x8x128xf32, #tpu.memory_space<hbm>>
        %dma_wait3A_701 = tpu.memref_squeeze %dma_wait3A_700 : memref<1x1x1x8x128xf32, #tpu.memory_space<hbm>> -> memref<8x128xf32, #tpu.memory_space<hbm>>
        %dma_wait3A_702 = arith.constant 0 : i32
        %dma_wait3A_703 = arith.constant 0 : i32
        %dma_wait3A_704 = tpu.memref_slice %arg5[%sub3A_588, %dma_wait3A_694, %add3A, %dma_wait3A_702, %dma_wait3A_703] : memref<200x8x32x8x128xf32, #tpu.memory_space<hbm>> -> memref<1x1x1x8x128xf32, #tpu.memory_space<hbm>>
        %dma_wait3A_705 = tpu.memref_squeeze %dma_wait3A_704 : memref<1x1x1x8x128xf32, #tpu.memory_space<hbm>> -> memref<8x128xf32, #tpu.memory_space<hbm>>
        %dma_wait3A_706 = arith.constant 56 : i32
        %dma_wait3A_707 = arith.constant 0 : i32
        %dma_wait3A_708 = tpu.memref_slice %arg11[%dma_wait3A_706, %dma_wait3A_707] : memref<64x129xf32, #tpu.memory_space<vmem>> -> memref<8x128xf32, #tpu.memory_space<vmem>>
        tpu.wait_dma2 semaphore(%arg15 : memref<!tpu.dma_semaphore, #tpu.memory_space<semaphore_mem>>) src(%dma_wait3A_708 : memref<8x128xf32, #tpu.memory_space<vmem>>) dst(%dma_wait3A_705 : memref<8x128xf32, #tpu.memory_space<hbm>>)
      } else {
      }
      %get3A_453 = arith.index_cast %add3A_434 : i32 to index
      %get3A_454 = arith.constant 0 : index
      %get3A_455 = tpu.vector_load %arg7[%get3A_453, %get3A_454] {strides = array<i32>} : memref<200x64xf32, #tpu.memory_space<vmem>>, vector<16xf32>,
      %get3A_456 = arith.index_cast %add3A_434 : i32 to index
      %get3A_457 = arith.constant 16 : index
      %get3A_458 = tpu.vector_load %arg7[%get3A_456, %get3A_457] {strides = array<i32>} : memref<200x64xf32, #tpu.memory_space<vmem>>, vector<16xf32>,
      %get3A_459 = arith.index_cast %add3A_434 : i32 to index
      %get3A_460 = arith.constant 32 : index
      %get3A_461 = tpu.vector_load %arg7[%get3A_459, %get3A_460] {strides = array<i32>} : memref<200x64xf32, #tpu.memory_space<vmem>>, vector<16xf32>,
      %get3A_462 = arith.index_cast %add3A_434 : i32 to index
      %get3A_463 = arith.constant 48 : index
      %get3A_464 = tpu.vector_load %arg7[%get3A_462, %get3A_463] {strides = array<i32>} : memref<200x64xf32, #tpu.memory_space<vmem>>, vector<16xf32>,
      %parallel_loop3A_465 = arith.constant 0 : i32
      %parallel_loop3A_466 = arith.constant 128 : i32
      %parallel_loop3A_467 = arith.constant 1 : i32
      scf.for %parallel_loop3A_588 = %parallel_loop3A_465 to %parallel_loop3A_466 step %parallel_loop3A_467  : i32 {
        %parallel_loop3A_589 = arith.constant 0 : i32
        %parallel_loop3A_590 = vector.broadcast %parallel_loop3A_589 : i32 to vector<16xi32>
        %parallel_loop3A_591 = arith.muli %iota3A, %parallel_loop3A_590 : vector<16xi32>
        %parallel_loop3A_592 = vector.broadcast %parallel_loop3A_588 : i32 to vector<16xi32>
        %parallel_loop3A_593 = arith.addi %parallel_loop3A_591, %parallel_loop3A_592 : vector<16xi32>
        %parallel_loop3A_594 = arith.index_cast %parallel_loop3A_588 : i32 to index
        %parallel_loop3A_595 = arith.constant 0 : index
        %parallel_loop3A_596 = tpu.vector_load %arg9[%parallel_loop3A_594, %parallel_loop3A_595] {strides = array<i32>} : memref<128x64xf32, #tpu.memory_space<vmem>>, vector<16xf32>,
        %parallel_loop3A_597 = arith.addf %parallel_loop3A_596, %get3A_455 : vector<16xf32>
        tpu.vector_store_idx %arg11[%add3A_3, %parallel_loop3A_593], %parallel_loop3A_597 : memref<64x129xf32, #tpu.memory_space<vmem>>[vector<16xi32>, vector<16xi32>], vector<16xf32>,
        %parallel_loop3A_598 = arith.index_cast %parallel_loop3A_588 : i32 to index
        %parallel_loop3A_599 = arith.constant 16 : index
        %parallel_loop3A_600 = tpu.vector_load %arg9[%parallel_loop3A_598, %parallel_loop3A_599] {strides = array<i32>} : memref<128x64xf32, #tpu.memory_space<vmem>>, vector<16xf32>,
        %parallel_loop3A_601 = arith.addf %parallel_loop3A_600, %get3A_458 : vector<16xf32>
        tpu.vector_store_idx %arg11[%add3A_6, %parallel_loop3A_593], %parallel_loop3A_601 : memref<64x129xf32, #tpu.memory_space<vmem>>[vector<16xi32>, vector<16xi32>], vector<16xf32>,
        %parallel_loop3A_602 = arith.index_cast %parallel_loop3A_588 : i32 to index
        %parallel_loop3A_603 = arith.constant 32 : index
        %parallel_loop3A_604 = tpu.vector_load %arg9[%parallel_loop3A_602, %parallel_loop3A_603] {strides = array<i32>} : memref<128x64xf32, #tpu.memory_space<vmem>>, vector<16xf32>,
        %parallel_loop3A_605 = arith.addf %parallel_loop3A_604, %get3A_461 : vector<16xf32>
        tpu.vector_store_idx %arg11[%add3A_9, %parallel_loop3A_593], %parallel_loop3A_605 : memref<64x129xf32, #tpu.memory_space<vmem>>[vector<16xi32>, vector<16xi32>], vector<16xf32>,
        %parallel_loop3A_606 = arith.index_cast %parallel_loop3A_588 : i32 to index
        %parallel_loop3A_607 = arith.constant 48 : index
        %parallel_loop3A_608 = tpu.vector_load %arg9[%parallel_loop3A_606, %parallel_loop3A_607] {strides = array<i32>} : memref<128x64xf32, #tpu.memory_space<vmem>>, vector<16xf32>,
        %parallel_loop3A_609 = arith.addf %parallel_loop3A_608, %get3A_464 : vector<16xf32>
        tpu.vector_store_idx %arg11[%add3A_12, %parallel_loop3A_593], %parallel_loop3A_609 : memref<64x129xf32, #tpu.memory_space<vmem>>[vector<16xi32>, vector<16xi32>], vector<16xf32>,
      } {sc.loop_unroll_factor = 4 : i64, sc.parallel_access}
      %dma_start3A_468 = arith.constant 0 : i32
      %dma_start3A_469 = arith.constant 0 : i32
      %dma_start3A_470 = arith.constant 0 : i32
      %dma_start3A_471 = tpu.memref_slice %arg11[%dma_start3A_469, %dma_start3A_470] : memref<64x129xf32, #tpu.memory_space<vmem>> -> memref<8x128xf32, #tpu.memory_space<vmem>>
      %dma_start3A_472 = arith.constant 0 : i32
      %dma_start3A_473 = arith.constant 0 : i32
      %dma_start3A_474 = tpu.memref_slice %arg5[%add3A_434, %dma_start3A_468, %add3A, %dma_start3A_472, %dma_start3A_473] : memref<200x8x32x8x128xf32, #tpu.memory_space<hbm>> -> memref<1x1x1x8x128xf32, #tpu.memory_space<hbm>>
      %dma_start3A_475 = tpu.memref_squeeze %dma_start3A_474 : memref<1x1x1x8x128xf32, #tpu.memory_space<hbm>> -> memref<8x128xf32, #tpu.memory_space<hbm>>
      %dma_start3A_476 = arith.constant 0 : i32
      %dma_start3A_477 = arith.constant 0 : i32
      %dma_start3A_478 = tpu.memref_slice %arg5[%add3A_434, %dma_start3A_468, %add3A, %dma_start3A_476, %dma_start3A_477] : memref<200x8x32x8x128xf32, #tpu.memory_space<hbm>> -> memref<1x1x1x8x128xf32, #tpu.memory_space<hbm>>
      %dma_start3A_479 = tpu.memref_squeeze %dma_start3A_478 : memref<1x1x1x8x128xf32, #tpu.memory_space<hbm>> -> memref<8x128xf32, #tpu.memory_space<hbm>>
      %dma_start3A_480 = arith.constant 0 : i32
      %dma_start3A_481 = arith.constant 0 : i32
      %dma_start3A_482 = tpu.memref_slice %arg11[%dma_start3A_480, %dma_start3A_481] : memref<64x129xf32, #tpu.memory_space<vmem>> -> memref<8x128xf32, #tpu.memory_space<vmem>>
      tpu.enqueue_dma source(%dma_start3A_482 : memref<8x128xf32, #tpu.memory_space<vmem>>) target(%dma_start3A_479 : memref<8x128xf32, #tpu.memory_space<hbm>>) target_semaphore(%arg15 : memref<!tpu.dma_semaphore, #tpu.memory_space<semaphore_mem>>)
      %dma_start3A_483 = arith.constant 1 : i32
      %dma_start3A_484 = arith.constant 8 : i32
      %dma_start3A_485 = arith.constant 0 : i32
      %dma_start3A_486 = tpu.memref_slice %arg11[%dma_start3A_484, %dma_start3A_485] : memref<64x129xf32, #tpu.memory_space<vmem>> -> memref<8x128xf32, #tpu.memory_space<vmem>>
      %dma_start3A_487 = arith.constant 0 : i32
      %dma_start3A_488 = arith.constant 0 : i32
      %dma_start3A_489 = tpu.memref_slice %arg5[%add3A_434, %dma_start3A_483, %add3A, %dma_start3A_487, %dma_start3A_488] : memref<200x8x32x8x128xf32, #tpu.memory_space<hbm>> -> memref<1x1x1x8x128xf32, #tpu.memory_space<hbm>>
      %dma_start3A_490 = tpu.memref_squeeze %dma_start3A_489 : memref<1x1x1x8x128xf32, #tpu.memory_space<hbm>> -> memref<8x128xf32, #tpu.memory_space<hbm>>
      %dma_start3A_491 = arith.constant 0 : i32
      %dma_start3A_492 = arith.constant 0 : i32
      %dma_start3A_493 = tpu.memref_slice %arg5[%add3A_434, %dma_start3A_483, %add3A, %dma_start3A_491, %dma_start3A_492] : memref<200x8x32x8x128xf32, #tpu.memory_space<hbm>> -> memref<1x1x1x8x128xf32, #tpu.memory_space<hbm>>
      %dma_start3A_494 = tpu.memref_squeeze %dma_start3A_493 : memref<1x1x1x8x128xf32, #tpu.memory_space<hbm>> -> memref<8x128xf32, #tpu.memory_space<hbm>>
      %dma_start3A_495 = arith.constant 8 : i32
      %dma_start3A_496 = arith.constant 0 : i32
      %dma_start3A_497 = tpu.memref_slice %arg11[%dma_start3A_495, %dma_start3A_496] : memref<64x129xf32, #tpu.memory_space<vmem>> -> memref<8x128xf32, #tpu.memory_space<vmem>>
      tpu.enqueue_dma source(%dma_start3A_497 : memref<8x128xf32, #tpu.memory_space<vmem>>) target(%dma_start3A_494 : memref<8x128xf32, #tpu.memory_space<hbm>>) target_semaphore(%arg15 : memref<!tpu.dma_semaphore, #tpu.memory_space<semaphore_mem>>)
      %dma_start3A_498 = arith.constant 2 : i32
      %dma_start3A_499 = arith.constant 16 : i32
      %dma_start3A_500 = arith.constant 0 : i32
      %dma_start3A_501 = tpu.memref_slice %arg11[%dma_start3A_499, %dma_start3A_500] : memref<64x129xf32, #tpu.memory_space<vmem>> -> memref<8x128xf32, #tpu.memory_space<vmem>>
      %dma_start3A_502 = arith.constant 0 : i32
      %dma_start3A_503 = arith.constant 0 : i32
      %dma_start3A_504 = tpu.memref_slice %arg5[%add3A_434, %dma_start3A_498, %add3A, %dma_start3A_502, %dma_start3A_503] : memref<200x8x32x8x128xf32, #tpu.memory_space<hbm>> -> memref<1x1x1x8x128xf32, #tpu.memory_space<hbm>>
      %dma_start3A_505 = tpu.memref_squeeze %dma_start3A_504 : memref<1x1x1x8x128xf32, #tpu.memory_space<hbm>> -> memref<8x128xf32, #tpu.memory_space<hbm>>
      %dma_start3A_506 = arith.constant 0 : i32
      %dma_start3A_507 = arith.constant 0 : i32
      %dma_start3A_508 = tpu.memref_slice %arg5[%add3A_434, %dma_start3A_498, %add3A, %dma_start3A_506, %dma_start3A_507] : memref<200x8x32x8x128xf32, #tpu.memory_space<hbm>> -> memref<1x1x1x8x128xf32, #tpu.memory_space<hbm>>
      %dma_start3A_509 = tpu.memref_squeeze %dma_start3A_508 : memref<1x1x1x8x128xf32, #tpu.memory_space<hbm>> -> memref<8x128xf32, #tpu.memory_space<hbm>>
      %dma_start3A_510 = arith.constant 16 : i32
      %dma_start3A_511 = arith.constant 0 : i32
      %dma_start3A_512 = tpu.memref_slice %arg11[%dma_start3A_510, %dma_start3A_511] : memref<64x129xf32, #tpu.memory_space<vmem>> -> memref<8x128xf32, #tpu.memory_space<vmem>>
      tpu.enqueue_dma source(%dma_start3A_512 : memref<8x128xf32, #tpu.memory_space<vmem>>) target(%dma_start3A_509 : memref<8x128xf32, #tpu.memory_space<hbm>>) target_semaphore(%arg15 : memref<!tpu.dma_semaphore, #tpu.memory_space<semaphore_mem>>)
      %dma_start3A_513 = arith.constant 3 : i32
      %dma_start3A_514 = arith.constant 24 : i32
      %dma_start3A_515 = arith.constant 0 : i32
      %dma_start3A_516 = tpu.memref_slice %arg11[%dma_start3A_514, %dma_start3A_515] : memref<64x129xf32, #tpu.memory_space<vmem>> -> memref<8x128xf32, #tpu.memory_space<vmem>>
      %dma_start3A_517 = arith.constant 0 : i32
      %dma_start3A_518 = arith.constant 0 : i32
      %dma_start3A_519 = tpu.memref_slice %arg5[%add3A_434, %dma_start3A_513, %add3A, %dma_start3A_517, %dma_start3A_518] : memref<200x8x32x8x128xf32, #tpu.memory_space<hbm>> -> memref<1x1x1x8x128xf32, #tpu.memory_space<hbm>>
      %dma_start3A_520 = tpu.memref_squeeze %dma_start3A_519 : memref<1x1x1x8x128xf32, #tpu.memory_space<hbm>> -> memref<8x128xf32, #tpu.memory_space<hbm>>
      %dma_start3A_521 = arith.constant 0 : i32
      %dma_start3A_522 = arith.constant 0 : i32
      %dma_start3A_523 = tpu.memref_slice %arg5[%add3A_434, %dma_start3A_513, %add3A, %dma_start3A_521, %dma_start3A_522] : memref<200x8x32x8x128xf32, #tpu.memory_space<hbm>> -> memref<1x1x1x8x128xf32, #tpu.memory_space<hbm>>
      %dma_start3A_524 = tpu.memref_squeeze %dma_start3A_523 : memref<1x1x1x8x128xf32, #tpu.memory_space<hbm>> -> memref<8x128xf32, #tpu.memory_space<hbm>>
      %dma_start3A_525 = arith.constant 24 : i32
      %dma_start3A_526 = arith.constant 0 : i32
      %dma_start3A_527 = tpu.memref_slice %arg11[%dma_start3A_525, %dma_start3A_526] : memref<64x129xf32, #tpu.memory_space<vmem>> -> memref<8x128xf32, #tpu.memory_space<vmem>>
      tpu.enqueue_dma source(%dma_start3A_527 : memref<8x128xf32, #tpu.memory_space<vmem>>) target(%dma_start3A_524 : memref<8x128xf32, #tpu.memory_space<hbm>>) target_semaphore(%arg15 : memref<!tpu.dma_semaphore, #tpu.memory_space<semaphore_mem>>)
      %dma_start3A_528 = arith.constant 4 : i32
      %dma_start3A_529 = arith.constant 32 : i32
      %dma_start3A_530 = arith.constant 0 : i32
      %dma_start3A_531 = tpu.memref_slice %arg11[%dma_start3A_529, %dma_start3A_530] : memref<64x129xf32, #tpu.memory_space<vmem>> -> memref<8x128xf32, #tpu.memory_space<vmem>>
      %dma_start3A_532 = arith.constant 0 : i32
      %dma_start3A_533 = arith.constant 0 : i32
      %dma_start3A_534 = tpu.memref_slice %arg5[%add3A_434, %dma_start3A_528, %add3A, %dma_start3A_532, %dma_start3A_533] : memref<200x8x32x8x128xf32, #tpu.memory_space<hbm>> -> memref<1x1x1x8x128xf32, #tpu.memory_space<hbm>>
      %dma_start3A_535 = tpu.memref_squeeze %dma_start3A_534 : memref<1x1x1x8x128xf32, #tpu.memory_space<hbm>> -> memref<8x128xf32, #tpu.memory_space<hbm>>
      %dma_start3A_536 = arith.constant 0 : i32
      %dma_start3A_537 = arith.constant 0 : i32
      %dma_start3A_538 = tpu.memref_slice %arg5[%add3A_434, %dma_start3A_528, %add3A, %dma_start3A_536, %dma_start3A_537] : memref<200x8x32x8x128xf32, #tpu.memory_space<hbm>> -> memref<1x1x1x8x128xf32, #tpu.memory_space<hbm>>
      %dma_start3A_539 = tpu.memref_squeeze %dma_start3A_538 : memref<1x1x1x8x128xf32, #tpu.memory_space<hbm>> -> memref<8x128xf32, #tpu.memory_space<hbm>>
      %dma_start3A_540 = arith.constant 32 : i32
      %dma_start3A_541 = arith.constant 0 : i32
      %dma_start3A_542 = tpu.memref_slice %arg11[%dma_start3A_540, %dma_start3A_541] : memref<64x129xf32, #tpu.memory_space<vmem>> -> memref<8x128xf32, #tpu.memory_space<vmem>>
      tpu.enqueue_dma source(%dma_start3A_542 : memref<8x128xf32, #tpu.memory_space<vmem>>) target(%dma_start3A_539 : memref<8x128xf32, #tpu.memory_space<hbm>>) target_semaphore(%arg15 : memref<!tpu.dma_semaphore, #tpu.memory_space<semaphore_mem>>)
      %dma_start3A_543 = arith.constant 5 : i32
      %dma_start3A_544 = arith.constant 40 : i32
      %dma_start3A_545 = arith.constant 0 : i32
      %dma_start3A_546 = tpu.memref_slice %arg11[%dma_start3A_544, %dma_start3A_545] : memref<64x129xf32, #tpu.memory_space<vmem>> -> memref<8x128xf32, #tpu.memory_space<vmem>>
      %dma_start3A_547 = arith.constant 0 : i32
      %dma_start3A_548 = arith.constant 0 : i32
      %dma_start3A_549 = tpu.memref_slice %arg5[%add3A_434, %dma_start3A_543, %add3A, %dma_start3A_547, %dma_start3A_548] : memref<200x8x32x8x128xf32, #tpu.memory_space<hbm>> -> memref<1x1x1x8x128xf32, #tpu.memory_space<hbm>>
      %dma_start3A_550 = tpu.memref_squeeze %dma_start3A_549 : memref<1x1x1x8x128xf32, #tpu.memory_space<hbm>> -> memref<8x128xf32, #tpu.memory_space<hbm>>
      %dma_start3A_551 = arith.constant 0 : i32
      %dma_start3A_552 = arith.constant 0 : i32
      %dma_start3A_553 = tpu.memref_slice %arg5[%add3A_434, %dma_start3A_543, %add3A, %dma_start3A_551, %dma_start3A_552] : memref<200x8x32x8x128xf32, #tpu.memory_space<hbm>> -> memref<1x1x1x8x128xf32, #tpu.memory_space<hbm>>
      %dma_start3A_554 = tpu.memref_squeeze %dma_start3A_553 : memref<1x1x1x8x128xf32, #tpu.memory_space<hbm>> -> memref<8x128xf32, #tpu.memory_space<hbm>>
      %dma_start3A_555 = arith.constant 40 : i32
      %dma_start3A_556 = arith.constant 0 : i32
      %dma_start3A_557 = tpu.memref_slice %arg11[%dma_start3A_555, %dma_start3A_556] : memref<64x129xf32, #tpu.memory_space<vmem>> -> memref<8x128xf32, #tpu.memory_space<vmem>>
      tpu.enqueue_dma source(%dma_start3A_557 : memref<8x128xf32, #tpu.memory_space<vmem>>) target(%dma_start3A_554 : memref<8x128xf32, #tpu.memory_space<hbm>>) target_semaphore(%arg15 : memref<!tpu.dma_semaphore, #tpu.memory_space<semaphore_mem>>)
      %dma_start3A_558 = arith.constant 6 : i32
      %dma_start3A_559 = arith.constant 48 : i32
      %dma_start3A_560 = arith.constant 0 : i32
      %dma_start3A_561 = tpu.memref_slice %arg11[%dma_start3A_559, %dma_start3A_560] : memref<64x129xf32, #tpu.memory_space<vmem>> -> memref<8x128xf32, #tpu.memory_space<vmem>>
      %dma_start3A_562 = arith.constant 0 : i32
      %dma_start3A_563 = arith.constant 0 : i32
      %dma_start3A_564 = tpu.memref_slice %arg5[%add3A_434, %dma_start3A_558, %add3A, %dma_start3A_562, %dma_start3A_563] : memref<200x8x32x8x128xf32, #tpu.memory_space<hbm>> -> memref<1x1x1x8x128xf32, #tpu.memory_space<hbm>>
      %dma_start3A_565 = tpu.memref_squeeze %dma_start3A_564 : memref<1x1x1x8x128xf32, #tpu.memory_space<hbm>> -> memref<8x128xf32, #tpu.memory_space<hbm>>
      %dma_start3A_566 = arith.constant 0 : i32
      %dma_start3A_567 = arith.constant 0 : i32
      %dma_start3A_568 = tpu.memref_slice %arg5[%add3A_434, %dma_start3A_558, %add3A, %dma_start3A_566, %dma_start3A_567] : memref<200x8x32x8x128xf32, #tpu.memory_space<hbm>> -> memref<1x1x1x8x128xf32, #tpu.memory_space<hbm>>
      %dma_start3A_569 = tpu.memref_squeeze %dma_start3A_568 : memref<1x1x1x8x128xf32, #tpu.memory_space<hbm>> -> memref<8x128xf32, #tpu.memory_space<hbm>>
      %dma_start3A_570 = arith.constant 48 : i32
      %dma_start3A_571 = arith.constant 0 : i32
      %dma_start3A_572 = tpu.memref_slice %arg11[%dma_start3A_570, %dma_start3A_571] : memref<64x129xf32, #tpu.memory_space<vmem>> -> memref<8x128xf32, #tpu.memory_space<vmem>>
      tpu.enqueue_dma source(%dma_start3A_572 : memref<8x128xf32, #tpu.memory_space<vmem>>) target(%dma_start3A_569 : memref<8x128xf32, #tpu.memory_space<hbm>>) target_semaphore(%arg15 : memref<!tpu.dma_semaphore, #tpu.memory_space<semaphore_mem>>)
      %dma_start3A_573 = arith.constant 7 : i32
      %dma_start3A_574 = arith.constant 56 : i32
      %dma_start3A_575 = arith.constant 0 : i32
      %dma_start3A_576 = tpu.memref_slice %arg11[%dma_start3A_574, %dma_start3A_575] : memref<64x129xf32, #tpu.memory_space<vmem>> -> memref<8x128xf32, #tpu.memory_space<vmem>>
      %dma_start3A_577 = arith.constant 0 : i32
      %dma_start3A_578 = arith.constant 0 : i32
      %dma_start3A_579 = tpu.memref_slice %arg5[%add3A_434, %dma_start3A_573, %add3A, %dma_start3A_577, %dma_start3A_578] : memref<200x8x32x8x128xf32, #tpu.memory_space<hbm>> -> memref<1x1x1x8x128xf32, #tpu.memory_space<hbm>>
      %dma_start3A_580 = tpu.memref_squeeze %dma_start3A_579 : memref<1x1x1x8x128xf32, #tpu.memory_space<hbm>> -> memref<8x128xf32, #tpu.memory_space<hbm>>
      %dma_start3A_581 = arith.constant 0 : i32
      %dma_start3A_582 = arith.constant 0 : i32
      %dma_start3A_583 = tpu.memref_slice %arg5[%add3A_434, %dma_start3A_573, %add3A, %dma_start3A_581, %dma_start3A_582] : memref<200x8x32x8x128xf32, #tpu.memory_space<hbm>> -> memref<1x1x1x8x128xf32, #tpu.memory_space<hbm>>
      %dma_start3A_584 = tpu.memref_squeeze %dma_start3A_583 : memref<1x1x1x8x128xf32, #tpu.memory_space<hbm>> -> memref<8x128xf32, #tpu.memory_space<hbm>>
      %dma_start3A_585 = arith.constant 56 : i32
      %dma_start3A_586 = arith.constant 0 : i32
      %dma_start3A_587 = tpu.memref_slice %arg11[%dma_start3A_585, %dma_start3A_586] : memref<64x129xf32, #tpu.memory_space<vmem>> -> memref<8x128xf32, #tpu.memory_space<vmem>>
      tpu.enqueue_dma source(%dma_start3A_587 : memref<8x128xf32, #tpu.memory_space<vmem>>) target(%dma_start3A_584 : memref<8x128xf32, #tpu.memory_space<hbm>>) target_semaphore(%arg15 : memref<!tpu.dma_semaphore, #tpu.memory_space<semaphore_mem>>)
    }
    %scan3A_23 = arith.constant 100 : i32
    %dma_wait3A = arith.constant 198 : i32
    %dma_wait3A_24 = arith.constant 0 : i32
    %dma_wait3A_25 = arith.constant 0 : i32
    %dma_wait3A_26 = arith.constant 0 : i32
    %dma_wait3A_27 = tpu.memref_slice %arg10[%dma_wait3A_25, %dma_wait3A_26] : memref<64x129xf32, #tpu.memory_space<vmem>> -> memref<8x128xf32, #tpu.memory_space<vmem>>
    %dma_wait3A_28 = arith.constant 0 : i32
    %dma_wait3A_29 = arith.constant 0 : i32
    %dma_wait3A_30 = tpu.memref_slice %arg5[%dma_wait3A, %dma_wait3A_24, %add3A, %dma_wait3A_28, %dma_wait3A_29] : memref<200x8x32x8x128xf32, #tpu.memory_space<hbm>> -> memref<1x1x1x8x128xf32, #tpu.memory_space<hbm>>
    %dma_wait3A_31 = tpu.memref_squeeze %dma_wait3A_30 : memref<1x1x1x8x128xf32, #tpu.memory_space<hbm>> -> memref<8x128xf32, #tpu.memory_space<hbm>>
    %dma_wait3A_32 = arith.constant 0 : i32
    %dma_wait3A_33 = arith.constant 0 : i32
    %dma_wait3A_34 = tpu.memref_slice %arg5[%dma_wait3A, %dma_wait3A_24, %add3A, %dma_wait3A_32, %dma_wait3A_33] : memref<200x8x32x8x128xf32, #tpu.memory_space<hbm>> -> memref<1x1x1x8x128xf32, #tpu.memory_space<hbm>>
    %dma_wait3A_35 = tpu.memref_squeeze %dma_wait3A_34 : memref<1x1x1x8x128xf32, #tpu.memory_space<hbm>> -> memref<8x128xf32, #tpu.memory_space<hbm>>
    %dma_wait3A_36 = arith.constant 0 : i32
    %dma_wait3A_37 = arith.constant 0 : i32
    %dma_wait3A_38 = tpu.memref_slice %arg10[%dma_wait3A_36, %dma_wait3A_37] : memref<64x129xf32, #tpu.memory_space<vmem>> -> memref<8x128xf32, #tpu.memory_space<vmem>>
    tpu.wait_dma2 semaphore(%arg14 : memref<!tpu.dma_semaphore, #tpu.memory_space<semaphore_mem>>) src(%dma_wait3A_38 : memref<8x128xf32, #tpu.memory_space<vmem>>) dst(%dma_wait3A_35 : memref<8x128xf32, #tpu.memory_space<hbm>>)
    %dma_wait3A_39 = arith.constant 198 : i32
    %dma_wait3A_40 = arith.constant 1 : i32
    %dma_wait3A_41 = arith.constant 8 : i32
    %dma_wait3A_42 = arith.constant 0 : i32
    %dma_wait3A_43 = tpu.memref_slice %arg10[%dma_wait3A_41, %dma_wait3A_42] : memref<64x129xf32, #tpu.memory_space<vmem>> -> memref<8x128xf32, #tpu.memory_space<vmem>>
    %dma_wait3A_44 = arith.constant 0 : i32
    %dma_wait3A_45 = arith.constant 0 : i32
    %dma_wait3A_46 = tpu.memref_slice %arg5[%dma_wait3A_39, %dma_wait3A_40, %add3A, %dma_wait3A_44, %dma_wait3A_45] : memref<200x8x32x8x128xf32, #tpu.memory_space<hbm>> -> memref<1x1x1x8x128xf32, #tpu.memory_space<hbm>>
    %dma_wait3A_47 = tpu.memref_squeeze %dma_wait3A_46 : memref<1x1x1x8x128xf32, #tpu.memory_space<hbm>> -> memref<8x128xf32, #tpu.memory_space<hbm>>
    %dma_wait3A_48 = arith.constant 0 : i32
    %dma_wait3A_49 = arith.constant 0 : i32
    %dma_wait3A_50 = tpu.memref_slice %arg5[%dma_wait3A_39, %dma_wait3A_40, %add3A, %dma_wait3A_48, %dma_wait3A_49] : memref<200x8x32x8x128xf32, #tpu.memory_space<hbm>> -> memref<1x1x1x8x128xf32, #tpu.memory_space<hbm>>
    %dma_wait3A_51 = tpu.memref_squeeze %dma_wait3A_50 : memref<1x1x1x8x128xf32, #tpu.memory_space<hbm>> -> memref<8x128xf32, #tpu.memory_space<hbm>>
    %dma_wait3A_52 = arith.constant 8 : i32
    %dma_wait3A_53 = arith.constant 0 : i32
    %dma_wait3A_54 = tpu.memref_slice %arg10[%dma_wait3A_52, %dma_wait3A_53] : memref<64x129xf32, #tpu.memory_space<vmem>> -> memref<8x128xf32, #tpu.memory_space<vmem>>
    tpu.wait_dma2 semaphore(%arg14 : memref<!tpu.dma_semaphore, #tpu.memory_space<semaphore_mem>>) src(%dma_wait3A_54 : memref<8x128xf32, #tpu.memory_space<vmem>>) dst(%dma_wait3A_51 : memref<8x128xf32, #tpu.memory_space<hbm>>)
    %dma_wait3A_55 = arith.constant 198 : i32
    %dma_wait3A_56 = arith.constant 2 : i32
    %dma_wait3A_57 = arith.constant 16 : i32
    %dma_wait3A_58 = arith.constant 0 : i32
    %dma_wait3A_59 = tpu.memref_slice %arg10[%dma_wait3A_57, %dma_wait3A_58] : memref<64x129xf32, #tpu.memory_space<vmem>> -> memref<8x128xf32, #tpu.memory_space<vmem>>
    %dma_wait3A_60 = arith.constant 0 : i32
    %dma_wait3A_61 = arith.constant 0 : i32
    %dma_wait3A_62 = tpu.memref_slice %arg5[%dma_wait3A_55, %dma_wait3A_56, %add3A, %dma_wait3A_60, %dma_wait3A_61] : memref<200x8x32x8x128xf32, #tpu.memory_space<hbm>> -> memref<1x1x1x8x128xf32, #tpu.memory_space<hbm>>
    %dma_wait3A_63 = tpu.memref_squeeze %dma_wait3A_62 : memref<1x1x1x8x128xf32, #tpu.memory_space<hbm>> -> memref<8x128xf32, #tpu.memory_space<hbm>>
    %dma_wait3A_64 = arith.constant 0 : i32
    %dma_wait3A_65 = arith.constant 0 : i32
    %dma_wait3A_66 = tpu.memref_slice %arg5[%dma_wait3A_55, %dma_wait3A_56, %add3A, %dma_wait3A_64, %dma_wait3A_65] : memref<200x8x32x8x128xf32, #tpu.memory_space<hbm>> -> memref<1x1x1x8x128xf32, #tpu.memory_space<hbm>>
    %dma_wait3A_67 = tpu.memref_squeeze %dma_wait3A_66 : memref<1x1x1x8x128xf32, #tpu.memory_space<hbm>> -> memref<8x128xf32, #tpu.memory_space<hbm>>
    %dma_wait3A_68 = arith.constant 16 : i32
    %dma_wait3A_69 = arith.constant 0 : i32
    %dma_wait3A_70 = tpu.memref_slice %arg10[%dma_wait3A_68, %dma_wait3A_69] : memref<64x129xf32, #tpu.memory_space<vmem>> -> memref<8x128xf32, #tpu.memory_space<vmem>>
    tpu.wait_dma2 semaphore(%arg14 : memref<!tpu.dma_semaphore, #tpu.memory_space<semaphore_mem>>) src(%dma_wait3A_70 : memref<8x128xf32, #tpu.memory_space<vmem>>) dst(%dma_wait3A_67 : memref<8x128xf32, #tpu.memory_space<hbm>>)
    %dma_wait3A_71 = arith.constant 198 : i32
    %dma_wait3A_72 = arith.constant 3 : i32
    %dma_wait3A_73 = arith.constant 24 : i32
    %dma_wait3A_74 = arith.constant 0 : i32
    %dma_wait3A_75 = tpu.memref_slice %arg10[%dma_wait3A_73, %dma_wait3A_74] : memref<64x129xf32, #tpu.memory_space<vmem>> -> memref<8x128xf32, #tpu.memory_space<vmem>>
    %dma_wait3A_76 = arith.constant 0 : i32
    %dma_wait3A_77 = arith.constant 0 : i32
    %dma_wait3A_78 = tpu.memref_slice %arg5[%dma_wait3A_71, %dma_wait3A_72, %add3A, %dma_wait3A_76, %dma_wait3A_77] : memref<200x8x32x8x128xf32, #tpu.memory_space<hbm>> -> memref<1x1x1x8x128xf32, #tpu.memory_space<hbm>>
    %dma_wait3A_79 = tpu.memref_squeeze %dma_wait3A_78 : memref<1x1x1x8x128xf32, #tpu.memory_space<hbm>> -> memref<8x128xf32, #tpu.memory_space<hbm>>
    %dma_wait3A_80 = arith.constant 0 : i32
    %dma_wait3A_81 = arith.constant 0 : i32
    %dma_wait3A_82 = tpu.memref_slice %arg5[%dma_wait3A_71, %dma_wait3A_72, %add3A, %dma_wait3A_80, %dma_wait3A_81] : memref<200x8x32x8x128xf32, #tpu.memory_space<hbm>> -> memref<1x1x1x8x128xf32, #tpu.memory_space<hbm>>
    %dma_wait3A_83 = tpu.memref_squeeze %dma_wait3A_82 : memref<1x1x1x8x128xf32, #tpu.memory_space<hbm>> -> memref<8x128xf32, #tpu.memory_space<hbm>>
    %dma_wait3A_84 = arith.constant 24 : i32
    %dma_wait3A_85 = arith.constant 0 : i32
    %dma_wait3A_86 = tpu.memref_slice %arg10[%dma_wait3A_84, %dma_wait3A_85] : memref<64x129xf32, #tpu.memory_space<vmem>> -> memref<8x128xf32, #tpu.memory_space<vmem>>
    tpu.wait_dma2 semaphore(%arg14 : memref<!tpu.dma_semaphore, #tpu.memory_space<semaphore_mem>>) src(%dma_wait3A_86 : memref<8x128xf32, #tpu.memory_space<vmem>>) dst(%dma_wait3A_83 : memref<8x128xf32, #tpu.memory_space<hbm>>)
    %dma_wait3A_87 = arith.constant 198 : i32
    %dma_wait3A_88 = arith.constant 4 : i32
    %dma_wait3A_89 = arith.constant 32 : i32
    %dma_wait3A_90 = arith.constant 0 : i32
    %dma_wait3A_91 = tpu.memref_slice %arg10[%dma_wait3A_89, %dma_wait3A_90] : memref<64x129xf32, #tpu.memory_space<vmem>> -> memref<8x128xf32, #tpu.memory_space<vmem>>
    %dma_wait3A_92 = arith.constant 0 : i32
    %dma_wait3A_93 = arith.constant 0 : i32
    %dma_wait3A_94 = tpu.memref_slice %arg5[%dma_wait3A_87, %dma_wait3A_88, %add3A, %dma_wait3A_92, %dma_wait3A_93] : memref<200x8x32x8x128xf32, #tpu.memory_space<hbm>> -> memref<1x1x1x8x128xf32, #tpu.memory_space<hbm>>
    %dma_wait3A_95 = tpu.memref_squeeze %dma_wait3A_94 : memref<1x1x1x8x128xf32, #tpu.memory_space<hbm>> -> memref<8x128xf32, #tpu.memory_space<hbm>>
    %dma_wait3A_96 = arith.constant 0 : i32
    %dma_wait3A_97 = arith.constant 0 : i32
    %dma_wait3A_98 = tpu.memref_slice %arg5[%dma_wait3A_87, %dma_wait3A_88, %add3A, %dma_wait3A_96, %dma_wait3A_97] : memref<200x8x32x8x128xf32, #tpu.memory_space<hbm>> -> memref<1x1x1x8x128xf32, #tpu.memory_space<hbm>>
    %dma_wait3A_99 = tpu.memref_squeeze %dma_wait3A_98 : memref<1x1x1x8x128xf32, #tpu.memory_space<hbm>> -> memref<8x128xf32, #tpu.memory_space<hbm>>
    %dma_wait3A_100 = arith.constant 32 : i32
    %dma_wait3A_101 = arith.constant 0 : i32
    %dma_wait3A_102 = tpu.memref_slice %arg10[%dma_wait3A_100, %dma_wait3A_101] : memref<64x129xf32, #tpu.memory_space<vmem>> -> memref<8x128xf32, #tpu.memory_space<vmem>>
    tpu.wait_dma2 semaphore(%arg14 : memref<!tpu.dma_semaphore, #tpu.memory_space<semaphore_mem>>) src(%dma_wait3A_102 : memref<8x128xf32, #tpu.memory_space<vmem>>) dst(%dma_wait3A_99 : memref<8x128xf32, #tpu.memory_space<hbm>>)
    %dma_wait3A_103 = arith.constant 198 : i32
    %dma_wait3A_104 = arith.constant 5 : i32
    %dma_wait3A_105 = arith.constant 40 : i32
    %dma_wait3A_106 = arith.constant 0 : i32
    %dma_wait3A_107 = tpu.memref_slice %arg10[%dma_wait3A_105, %dma_wait3A_106] : memref<64x129xf32, #tpu.memory_space<vmem>> -> memref<8x128xf32, #tpu.memory_space<vmem>>
    %dma_wait3A_108 = arith.constant 0 : i32
    %dma_wait3A_109 = arith.constant 0 : i32
    %dma_wait3A_110 = tpu.memref_slice %arg5[%dma_wait3A_103, %dma_wait3A_104, %add3A, %dma_wait3A_108, %dma_wait3A_109] : memref<200x8x32x8x128xf32, #tpu.memory_space<hbm>> -> memref<1x1x1x8x128xf32, #tpu.memory_space<hbm>>
    %dma_wait3A_111 = tpu.memref_squeeze %dma_wait3A_110 : memref<1x1x1x8x128xf32, #tpu.memory_space<hbm>> -> memref<8x128xf32, #tpu.memory_space<hbm>>
    %dma_wait3A_112 = arith.constant 0 : i32
    %dma_wait3A_113 = arith.constant 0 : i32
    %dma_wait3A_114 = tpu.memref_slice %arg5[%dma_wait3A_103, %dma_wait3A_104, %add3A, %dma_wait3A_112, %dma_wait3A_113] : memref<200x8x32x8x128xf32, #tpu.memory_space<hbm>> -> memref<1x1x1x8x128xf32, #tpu.memory_space<hbm>>
    %dma_wait3A_115 = tpu.memref_squeeze %dma_wait3A_114 : memref<1x1x1x8x128xf32, #tpu.memory_space<hbm>> -> memref<8x128xf32, #tpu.memory_space<hbm>>
    %dma_wait3A_116 = arith.constant 40 : i32
    %dma_wait3A_117 = arith.constant 0 : i32
    %dma_wait3A_118 = tpu.memref_slice %arg10[%dma_wait3A_116, %dma_wait3A_117] : memref<64x129xf32, #tpu.memory_space<vmem>> -> memref<8x128xf32, #tpu.memory_space<vmem>>
    tpu.wait_dma2 semaphore(%arg14 : memref<!tpu.dma_semaphore, #tpu.memory_space<semaphore_mem>>) src(%dma_wait3A_118 : memref<8x128xf32, #tpu.memory_space<vmem>>) dst(%dma_wait3A_115 : memref<8x128xf32, #tpu.memory_space<hbm>>)
    %dma_wait3A_119 = arith.constant 198 : i32
    %dma_wait3A_120 = arith.constant 6 : i32
    %dma_wait3A_121 = arith.constant 48 : i32
    %dma_wait3A_122 = arith.constant 0 : i32
    %dma_wait3A_123 = tpu.memref_slice %arg10[%dma_wait3A_121, %dma_wait3A_122] : memref<64x129xf32, #tpu.memory_space<vmem>> -> memref<8x128xf32, #tpu.memory_space<vmem>>
    %dma_wait3A_124 = arith.constant 0 : i32
    %dma_wait3A_125 = arith.constant 0 : i32
    %dma_wait3A_126 = tpu.memref_slice %arg5[%dma_wait3A_119, %dma_wait3A_120, %add3A, %dma_wait3A_124, %dma_wait3A_125] : memref<200x8x32x8x128xf32, #tpu.memory_space<hbm>> -> memref<1x1x1x8x128xf32, #tpu.memory_space<hbm>>
    %dma_wait3A_127 = tpu.memref_squeeze %dma_wait3A_126 : memref<1x1x1x8x128xf32, #tpu.memory_space<hbm>> -> memref<8x128xf32, #tpu.memory_space<hbm>>
    %dma_wait3A_128 = arith.constant 0 : i32
    %dma_wait3A_129 = arith.constant 0 : i32
    %dma_wait3A_130 = tpu.memref_slice %arg5[%dma_wait3A_119, %dma_wait3A_120, %add3A, %dma_wait3A_128, %dma_wait3A_129] : memref<200x8x32x8x128xf32, #tpu.memory_space<hbm>> -> memref<1x1x1x8x128xf32, #tpu.memory_space<hbm>>
    %dma_wait3A_131 = tpu.memref_squeeze %dma_wait3A_130 : memref<1x1x1x8x128xf32, #tpu.memory_space<hbm>> -> memref<8x128xf32, #tpu.memory_space<hbm>>
    %dma_wait3A_132 = arith.constant 48 : i32
    %dma_wait3A_133 = arith.constant 0 : i32
    %dma_wait3A_134 = tpu.memref_slice %arg10[%dma_wait3A_132, %dma_wait3A_133] : memref<64x129xf32, #tpu.memory_space<vmem>> -> memref<8x128xf32, #tpu.memory_space<vmem>>
    tpu.wait_dma2 semaphore(%arg14 : memref<!tpu.dma_semaphore, #tpu.memory_space<semaphore_mem>>) src(%dma_wait3A_134 : memref<8x128xf32, #tpu.memory_space<vmem>>) dst(%dma_wait3A_131 : memref<8x128xf32, #tpu.memory_space<hbm>>)
    %dma_wait3A_135 = arith.constant 198 : i32
    %dma_wait3A_136 = arith.constant 7 : i32
    %dma_wait3A_137 = arith.constant 56 : i32
    %dma_wait3A_138 = arith.constant 0 : i32
    %dma_wait3A_139 = tpu.memref_slice %arg10[%dma_wait3A_137, %dma_wait3A_138] : memref<64x129xf32, #tpu.memory_space<vmem>> -> memref<8x128xf32, #tpu.memory_space<vmem>>
    %dma_wait3A_140 = arith.constant 0 : i32
    %dma_wait3A_141 = arith.constant 0 : i32
    %dma_wait3A_142 = tpu.memref_slice %arg5[%dma_wait3A_135, %dma_wait3A_136, %add3A, %dma_wait3A_140, %dma_wait3A_141] : memref<200x8x32x8x128xf32, #tpu.memory_space<hbm>> -> memref<1x1x1x8x128xf32, #tpu.memory_space<hbm>>
    %dma_wait3A_143 = tpu.memref_squeeze %dma_wait3A_142 : memref<1x1x1x8x128xf32, #tpu.memory_space<hbm>> -> memref<8x128xf32, #tpu.memory_space<hbm>>
    %dma_wait3A_144 = arith.constant 0 : i32
    %dma_wait3A_145 = arith.constant 0 : i32
    %dma_wait3A_146 = tpu.memref_slice %arg5[%dma_wait3A_135, %dma_wait3A_136, %add3A, %dma_wait3A_144, %dma_wait3A_145] : memref<200x8x32x8x128xf32, #tpu.memory_space<hbm>> -> memref<1x1x1x8x128xf32, #tpu.memory_space<hbm>>
    %dma_wait3A_147 = tpu.memref_squeeze %dma_wait3A_146 : memref<1x1x1x8x128xf32, #tpu.memory_space<hbm>> -> memref<8x128xf32, #tpu.memory_space<hbm>>
    %dma_wait3A_148 = arith.constant 56 : i32
    %dma_wait3A_149 = arith.constant 0 : i32
    %dma_wait3A_150 = tpu.memref_slice %arg10[%dma_wait3A_148, %dma_wait3A_149] : memref<64x129xf32, #tpu.memory_space<vmem>> -> memref<8x128xf32, #tpu.memory_space<vmem>>
    tpu.wait_dma2 semaphore(%arg14 : memref<!tpu.dma_semaphore, #tpu.memory_space<semaphore_mem>>) src(%dma_wait3A_150 : memref<8x128xf32, #tpu.memory_space<vmem>>) dst(%dma_wait3A_147 : memref<8x128xf32, #tpu.memory_space<hbm>>)
    %dma_wait3A_151 = arith.constant 199 : i32
    %dma_wait3A_152 = arith.constant 0 : i32
    %dma_wait3A_153 = arith.constant 0 : i32
    %dma_wait3A_154 = arith.constant 0 : i32
    %dma_wait3A_155 = tpu.memref_slice %arg11[%dma_wait3A_153, %dma_wait3A_154] : memref<64x129xf32, #tpu.memory_space<vmem>> -> memref<8x128xf32, #tpu.memory_space<vmem>>
    %dma_wait3A_156 = arith.constant 0 : i32
    %dma_wait3A_157 = arith.constant 0 : i32
    %dma_wait3A_158 = tpu.memref_slice %arg5[%dma_wait3A_151, %dma_wait3A_152, %add3A, %dma_wait3A_156, %dma_wait3A_157] : memref<200x8x32x8x128xf32, #tpu.memory_space<hbm>> -> memref<1x1x1x8x128xf32, #tpu.memory_space<hbm>>
    %dma_wait3A_159 = tpu.memref_squeeze %dma_wait3A_158 : memref<1x1x1x8x128xf32, #tpu.memory_space<hbm>> -> memref<8x128xf32, #tpu.memory_space<hbm>>
    %dma_wait3A_160 = arith.constant 0 : i32
    %dma_wait3A_161 = arith.constant 0 : i32
    %dma_wait3A_162 = tpu.memref_slice %arg5[%dma_wait3A_151, %dma_wait3A_152, %add3A, %dma_wait3A_160, %dma_wait3A_161] : memref<200x8x32x8x128xf32, #tpu.memory_space<hbm>> -> memref<1x1x1x8x128xf32, #tpu.memory_space<hbm>>
    %dma_wait3A_163 = tpu.memref_squeeze %dma_wait3A_162 : memref<1x1x1x8x128xf32, #tpu.memory_space<hbm>> -> memref<8x128xf32, #tpu.memory_space<hbm>>
    %dma_wait3A_164 = arith.constant 0 : i32
    %dma_wait3A_165 = arith.constant 0 : i32
    %dma_wait3A_166 = tpu.memref_slice %arg11[%dma_wait3A_164, %dma_wait3A_165] : memref<64x129xf32, #tpu.memory_space<vmem>> -> memref<8x128xf32, #tpu.memory_space<vmem>>
    tpu.wait_dma2 semaphore(%arg15 : memref<!tpu.dma_semaphore, #tpu.memory_space<semaphore_mem>>) src(%dma_wait3A_166 : memref<8x128xf32, #tpu.memory_space<vmem>>) dst(%dma_wait3A_163 : memref<8x128xf32, #tpu.memory_space<hbm>>)
    %dma_wait3A_167 = arith.constant 199 : i32
    %dma_wait3A_168 = arith.constant 1 : i32
    %dma_wait3A_169 = arith.constant 8 : i32
    %dma_wait3A_170 = arith.constant 0 : i32
    %dma_wait3A_171 = tpu.memref_slice %arg11[%dma_wait3A_169, %dma_wait3A_170] : memref<64x129xf32, #tpu.memory_space<vmem>> -> memref<8x128xf32, #tpu.memory_space<vmem>>
    %dma_wait3A_172 = arith.constant 0 : i32
    %dma_wait3A_173 = arith.constant 0 : i32
    %dma_wait3A_174 = tpu.memref_slice %arg5[%dma_wait3A_167, %dma_wait3A_168, %add3A, %dma_wait3A_172, %dma_wait3A_173] : memref<200x8x32x8x128xf32, #tpu.memory_space<hbm>> -> memref<1x1x1x8x128xf32, #tpu.memory_space<hbm>>
    %dma_wait3A_175 = tpu.memref_squeeze %dma_wait3A_174 : memref<1x1x1x8x128xf32, #tpu.memory_space<hbm>> -> memref<8x128xf32, #tpu.memory_space<hbm>>
    %dma_wait3A_176 = arith.constant 0 : i32
    %dma_wait3A_177 = arith.constant 0 : i32
    %dma_wait3A_178 = tpu.memref_slice %arg5[%dma_wait3A_167, %dma_wait3A_168, %add3A, %dma_wait3A_176, %dma_wait3A_177] : memref<200x8x32x8x128xf32, #tpu.memory_space<hbm>> -> memref<1x1x1x8x128xf32, #tpu.memory_space<hbm>>
    %dma_wait3A_179 = tpu.memref_squeeze %dma_wait3A_178 : memref<1x1x1x8x128xf32, #tpu.memory_space<hbm>> -> memref<8x128xf32, #tpu.memory_space<hbm>>
    %dma_wait3A_180 = arith.constant 8 : i32
    %dma_wait3A_181 = arith.constant 0 : i32
    %dma_wait3A_182 = tpu.memref_slice %arg11[%dma_wait3A_180, %dma_wait3A_181] : memref<64x129xf32, #tpu.memory_space<vmem>> -> memref<8x128xf32, #tpu.memory_space<vmem>>
    tpu.wait_dma2 semaphore(%arg15 : memref<!tpu.dma_semaphore, #tpu.memory_space<semaphore_mem>>) src(%dma_wait3A_182 : memref<8x128xf32, #tpu.memory_space<vmem>>) dst(%dma_wait3A_179 : memref<8x128xf32, #tpu.memory_space<hbm>>)
    %dma_wait3A_183 = arith.constant 199 : i32
    %dma_wait3A_184 = arith.constant 2 : i32
    %dma_wait3A_185 = arith.constant 16 : i32
    %dma_wait3A_186 = arith.constant 0 : i32
    %dma_wait3A_187 = tpu.memref_slice %arg11[%dma_wait3A_185, %dma_wait3A_186] : memref<64x129xf32, #tpu.memory_space<vmem>> -> memref<8x128xf32, #tpu.memory_space<vmem>>
    %dma_wait3A_188 = arith.constant 0 : i32
    %dma_wait3A_189 = arith.constant 0 : i32
    %dma_wait3A_190 = tpu.memref_slice %arg5[%dma_wait3A_183, %dma_wait3A_184, %add3A, %dma_wait3A_188, %dma_wait3A_189] : memref<200x8x32x8x128xf32, #tpu.memory_space<hbm>> -> memref<1x1x1x8x128xf32, #tpu.memory_space<hbm>>
    %dma_wait3A_191 = tpu.memref_squeeze %dma_wait3A_190 : memref<1x1x1x8x128xf32, #tpu.memory_space<hbm>> -> memref<8x128xf32, #tpu.memory_space<hbm>>
    %dma_wait3A_192 = arith.constant 0 : i32
    %dma_wait3A_193 = arith.constant 0 : i32
    %dma_wait3A_194 = tpu.memref_slice %arg5[%dma_wait3A_183, %dma_wait3A_184, %add3A, %dma_wait3A_192, %dma_wait3A_193] : memref<200x8x32x8x128xf32, #tpu.memory_space<hbm>> -> memref<1x1x1x8x128xf32, #tpu.memory_space<hbm>>
    %dma_wait3A_195 = tpu.memref_squeeze %dma_wait3A_194 : memref<1x1x1x8x128xf32, #tpu.memory_space<hbm>> -> memref<8x128xf32, #tpu.memory_space<hbm>>
    %dma_wait3A_196 = arith.constant 16 : i32
    %dma_wait3A_197 = arith.constant 0 : i32
    %dma_wait3A_198 = tpu.memref_slice %arg11[%dma_wait3A_196, %dma_wait3A_197] : memref<64x129xf32, #tpu.memory_space<vmem>> -> memref<8x128xf32, #tpu.memory_space<vmem>>
    tpu.wait_dma2 semaphore(%arg15 : memref<!tpu.dma_semaphore, #tpu.memory_space<semaphore_mem>>) src(%dma_wait3A_198 : memref<8x128xf32, #tpu.memory_space<vmem>>) dst(%dma_wait3A_195 : memref<8x128xf32, #tpu.memory_space<hbm>>)
    %dma_wait3A_199 = arith.constant 199 : i32
    %dma_wait3A_200 = arith.constant 3 : i32
    %dma_wait3A_201 = arith.constant 24 : i32
    %dma_wait3A_202 = arith.constant 0 : i32
    %dma_wait3A_203 = tpu.memref_slice %arg11[%dma_wait3A_201, %dma_wait3A_202] : memref<64x129xf32, #tpu.memory_space<vmem>> -> memref<8x128xf32, #tpu.memory_space<vmem>>
    %dma_wait3A_204 = arith.constant 0 : i32
    %dma_wait3A_205 = arith.constant 0 : i32
    %dma_wait3A_206 = tpu.memref_slice %arg5[%dma_wait3A_199, %dma_wait3A_200, %add3A, %dma_wait3A_204, %dma_wait3A_205] : memref<200x8x32x8x128xf32, #tpu.memory_space<hbm>> -> memref<1x1x1x8x128xf32, #tpu.memory_space<hbm>>
    %dma_wait3A_207 = tpu.memref_squeeze %dma_wait3A_206 : memref<1x1x1x8x128xf32, #tpu.memory_space<hbm>> -> memref<8x128xf32, #tpu.memory_space<hbm>>
    %dma_wait3A_208 = arith.constant 0 : i32
    %dma_wait3A_209 = arith.constant 0 : i32
    %dma_wait3A_210 = tpu.memref_slice %arg5[%dma_wait3A_199, %dma_wait3A_200, %add3A, %dma_wait3A_208, %dma_wait3A_209] : memref<200x8x32x8x128xf32, #tpu.memory_space<hbm>> -> memref<1x1x1x8x128xf32, #tpu.memory_space<hbm>>
    %dma_wait3A_211 = tpu.memref_squeeze %dma_wait3A_210 : memref<1x1x1x8x128xf32, #tpu.memory_space<hbm>> -> memref<8x128xf32, #tpu.memory_space<hbm>>
    %dma_wait3A_212 = arith.constant 24 : i32
    %dma_wait3A_213 = arith.constant 0 : i32
    %dma_wait3A_214 = tpu.memref_slice %arg11[%dma_wait3A_212, %dma_wait3A_213] : memref<64x129xf32, #tpu.memory_space<vmem>> -> memref<8x128xf32, #tpu.memory_space<vmem>>
    tpu.wait_dma2 semaphore(%arg15 : memref<!tpu.dma_semaphore, #tpu.memory_space<semaphore_mem>>) src(%dma_wait3A_214 : memref<8x128xf32, #tpu.memory_space<vmem>>) dst(%dma_wait3A_211 : memref<8x128xf32, #tpu.memory_space<hbm>>)
    %dma_wait3A_215 = arith.constant 199 : i32
    %dma_wait3A_216 = arith.constant 4 : i32
    %dma_wait3A_217 = arith.constant 32 : i32
    %dma_wait3A_218 = arith.constant 0 : i32
    %dma_wait3A_219 = tpu.memref_slice %arg11[%dma_wait3A_217, %dma_wait3A_218] : memref<64x129xf32, #tpu.memory_space<vmem>> -> memref<8x128xf32, #tpu.memory_space<vmem>>
    %dma_wait3A_220 = arith.constant 0 : i32
    %dma_wait3A_221 = arith.constant 0 : i32
    %dma_wait3A_222 = tpu.memref_slice %arg5[%dma_wait3A_215, %dma_wait3A_216, %add3A, %dma_wait3A_220, %dma_wait3A_221] : memref<200x8x32x8x128xf32, #tpu.memory_space<hbm>> -> memref<1x1x1x8x128xf32, #tpu.memory_space<hbm>>
    %dma_wait3A_223 = tpu.memref_squeeze %dma_wait3A_222 : memref<1x1x1x8x128xf32, #tpu.memory_space<hbm>> -> memref<8x128xf32, #tpu.memory_space<hbm>>
    %dma_wait3A_224 = arith.constant 0 : i32
    %dma_wait3A_225 = arith.constant 0 : i32
    %dma_wait3A_226 = tpu.memref_slice %arg5[%dma_wait3A_215, %dma_wait3A_216, %add3A, %dma_wait3A_224, %dma_wait3A_225] : memref<200x8x32x8x128xf32, #tpu.memory_space<hbm>> -> memref<1x1x1x8x128xf32, #tpu.memory_space<hbm>>
    %dma_wait3A_227 = tpu.memref_squeeze %dma_wait3A_226 : memref<1x1x1x8x128xf32, #tpu.memory_space<hbm>> -> memref<8x128xf32, #tpu.memory_space<hbm>>
    %dma_wait3A_228 = arith.constant 32 : i32
    %dma_wait3A_229 = arith.constant 0 : i32
    %dma_wait3A_230 = tpu.memref_slice %arg11[%dma_wait3A_228, %dma_wait3A_229] : memref<64x129xf32, #tpu.memory_space<vmem>> -> memref<8x128xf32, #tpu.memory_space<vmem>>
    tpu.wait_dma2 semaphore(%arg15 : memref<!tpu.dma_semaphore, #tpu.memory_space<semaphore_mem>>) src(%dma_wait3A_230 : memref<8x128xf32, #tpu.memory_space<vmem>>) dst(%dma_wait3A_227 : memref<8x128xf32, #tpu.memory_space<hbm>>)
    %dma_wait3A_231 = arith.constant 199 : i32
    %dma_wait3A_232 = arith.constant 5 : i32
    %dma_wait3A_233 = arith.constant 40 : i32
    %dma_wait3A_234 = arith.constant 0 : i32
    %dma_wait3A_235 = tpu.memref_slice %arg11[%dma_wait3A_233, %dma_wait3A_234] : memref<64x129xf32, #tpu.memory_space<vmem>> -> memref<8x128xf32, #tpu.memory_space<vmem>>
    %dma_wait3A_236 = arith.constant 0 : i32
    %dma_wait3A_237 = arith.constant 0 : i32
    %dma_wait3A_238 = tpu.memref_slice %arg5[%dma_wait3A_231, %dma_wait3A_232, %add3A, %dma_wait3A_236, %dma_wait3A_237] : memref<200x8x32x8x128xf32, #tpu.memory_space<hbm>> -> memref<1x1x1x8x128xf32, #tpu.memory_space<hbm>>
    %dma_wait3A_239 = tpu.memref_squeeze %dma_wait3A_238 : memref<1x1x1x8x128xf32, #tpu.memory_space<hbm>> -> memref<8x128xf32, #tpu.memory_space<hbm>>
    %dma_wait3A_240 = arith.constant 0 : i32
    %dma_wait3A_241 = arith.constant 0 : i32
    %dma_wait3A_242 = tpu.memref_slice %arg5[%dma_wait3A_231, %dma_wait3A_232, %add3A, %dma_wait3A_240, %dma_wait3A_241] : memref<200x8x32x8x128xf32, #tpu.memory_space<hbm>> -> memref<1x1x1x8x128xf32, #tpu.memory_space<hbm>>
    %dma_wait3A_243 = tpu.memref_squeeze %dma_wait3A_242 : memref<1x1x1x8x128xf32, #tpu.memory_space<hbm>> -> memref<8x128xf32, #tpu.memory_space<hbm>>
    %dma_wait3A_244 = arith.constant 40 : i32
    %dma_wait3A_245 = arith.constant 0 : i32
    %dma_wait3A_246 = tpu.memref_slice %arg11[%dma_wait3A_244, %dma_wait3A_245] : memref<64x129xf32, #tpu.memory_space<vmem>> -> memref<8x128xf32, #tpu.memory_space<vmem>>
    tpu.wait_dma2 semaphore(%arg15 : memref<!tpu.dma_semaphore, #tpu.memory_space<semaphore_mem>>) src(%dma_wait3A_246 : memref<8x128xf32, #tpu.memory_space<vmem>>) dst(%dma_wait3A_243 : memref<8x128xf32, #tpu.memory_space<hbm>>)
    %dma_wait3A_247 = arith.constant 199 : i32
    %dma_wait3A_248 = arith.constant 6 : i32
    %dma_wait3A_249 = arith.constant 48 : i32
    %dma_wait3A_250 = arith.constant 0 : i32
    %dma_wait3A_251 = tpu.memref_slice %arg11[%dma_wait3A_249, %dma_wait3A_250] : memref<64x129xf32, #tpu.memory_space<vmem>> -> memref<8x128xf32, #tpu.memory_space<vmem>>
    %dma_wait3A_252 = arith.constant 0 : i32
    %dma_wait3A_253 = arith.constant 0 : i32
    %dma_wait3A_254 = tpu.memref_slice %arg5[%dma_wait3A_247, %dma_wait3A_248, %add3A, %dma_wait3A_252, %dma_wait3A_253] : memref<200x8x32x8x128xf32, #tpu.memory_space<hbm>> -> memref<1x1x1x8x128xf32, #tpu.memory_space<hbm>>
    %dma_wait3A_255 = tpu.memref_squeeze %dma_wait3A_254 : memref<1x1x1x8x128xf32, #tpu.memory_space<hbm>> -> memref<8x128xf32, #tpu.memory_space<hbm>>
    %dma_wait3A_256 = arith.constant 0 : i32
    %dma_wait3A_257 = arith.constant 0 : i32
    %dma_wait3A_258 = tpu.memref_slice %arg5[%dma_wait3A_247, %dma_wait3A_248, %add3A, %dma_wait3A_256, %dma_wait3A_257] : memref<200x8x32x8x128xf32, #tpu.memory_space<hbm>> -> memref<1x1x1x8x128xf32, #tpu.memory_space<hbm>>
    %dma_wait3A_259 = tpu.memref_squeeze %dma_wait3A_258 : memref<1x1x1x8x128xf32, #tpu.memory_space<hbm>> -> memref<8x128xf32, #tpu.memory_space<hbm>>
    %dma_wait3A_260 = arith.constant 48 : i32
    %dma_wait3A_261 = arith.constant 0 : i32
    %dma_wait3A_262 = tpu.memref_slice %arg11[%dma_wait3A_260, %dma_wait3A_261] : memref<64x129xf32, #tpu.memory_space<vmem>> -> memref<8x128xf32, #tpu.memory_space<vmem>>
    tpu.wait_dma2 semaphore(%arg15 : memref<!tpu.dma_semaphore, #tpu.memory_space<semaphore_mem>>) src(%dma_wait3A_262 : memref<8x128xf32, #tpu.memory_space<vmem>>) dst(%dma_wait3A_259 : memref<8x128xf32, #tpu.memory_space<hbm>>)
    %dma_wait3A_263 = arith.constant 199 : i32
    %dma_wait3A_264 = arith.constant 7 : i32
    %dma_wait3A_265 = arith.constant 56 : i32
    %dma_wait3A_266 = arith.constant 0 : i32
    %dma_wait3A_267 = tpu.memref_slice %arg11[%dma_wait3A_265, %dma_wait3A_266] : memref<64x129xf32, #tpu.memory_space<vmem>> -> memref<8x128xf32, #tpu.memory_space<vmem>>
    %dma_wait3A_268 = arith.constant 0 : i32
    %dma_wait3A_269 = arith.constant 0 : i32
    %dma_wait3A_270 = tpu.memref_slice %arg5[%dma_wait3A_263, %dma_wait3A_264, %add3A, %dma_wait3A_268, %dma_wait3A_269] : memref<200x8x32x8x128xf32, #tpu.memory_space<hbm>> -> memref<1x1x1x8x128xf32, #tpu.memory_space<hbm>>
    %dma_wait3A_271 = tpu.memref_squeeze %dma_wait3A_270 : memref<1x1x1x8x128xf32, #tpu.memory_space<hbm>> -> memref<8x128xf32, #tpu.memory_space<hbm>>
    %dma_wait3A_272 = arith.constant 0 : i32
    %dma_wait3A_273 = arith.constant 0 : i32
    %dma_wait3A_274 = tpu.memref_slice %arg5[%dma_wait3A_263, %dma_wait3A_264, %add3A, %dma_wait3A_272, %dma_wait3A_273] : memref<200x8x32x8x128xf32, #tpu.memory_space<hbm>> -> memref<1x1x1x8x128xf32, #tpu.memory_space<hbm>>
    %dma_wait3A_275 = tpu.memref_squeeze %dma_wait3A_274 : memref<1x1x1x8x128xf32, #tpu.memory_space<hbm>> -> memref<8x128xf32, #tpu.memory_space<hbm>>
    %dma_wait3A_276 = arith.constant 56 : i32
    %dma_wait3A_277 = arith.constant 0 : i32
    %dma_wait3A_278 = tpu.memref_slice %arg11[%dma_wait3A_276, %dma_wait3A_277] : memref<64x129xf32, #tpu.memory_space<vmem>> -> memref<8x128xf32, #tpu.memory_space<vmem>>
    tpu.wait_dma2 semaphore(%arg15 : memref<!tpu.dma_semaphore, #tpu.memory_space<semaphore_mem>>) src(%dma_wait3A_278 : memref<8x128xf32, #tpu.memory_space<vmem>>) dst(%dma_wait3A_275 : memref<8x128xf32, #tpu.memory_space<hbm>>)
    return
  }
}

</mosaic_0001>

<sc_bundles>
// kernel: kernel.3.cloned.1.call-start
scs
__scs_entry_jumppad:
0x0: {  	(pc) =	sbr.rel $0x88, $3  }
0x1: {  	(tag) =	ssettag $0x0;
	lr =	simm.s32 $0x1  }
0x2: {  	[smem:$0x3F9E] =	sst lr;
	_ =	strace $0xD0000000  }
0x3: {  	_ = 	snop  }
0x4: {  	_ = 	snop  }
0x5: {  	_ = 	snop  }
0x6: {  	_ = 	snop  }
0x7: {  	_ = 	snop  }
__scs_overlays_trampoline_lowered:
0x8: {  	[smem:$0x3FAD] =	sst s0  }
0x9: {  	[smem:$0x3FAE] =	sst s1  }
0xa: {  	[smem:$0x3FAF] =	sst s2  }
0xb: {  	[smem:$0x3FB0] =	sst s3  }
0xc: {  	[smem:$0x3FB1] =	sst s4  }
0xd: {  	[smem:$0x3FB2] =	sst s5  }
0xe: {  	[smem:$0x3FB3] =	sst s6  }
0xf: {  	[smem:$0x3FB4] =	sst s7  }
0x10: {  	[smem:$0x3FB5] =	sst s8  }
0x11: {  	[smem:$0x3FB6] =	sst s9;
	s0 =	simm.s32 @!p0 $0x0  }
0x12: {  	s1 =	sld [smem:$0x3F9C];
	s0 =	simm.s32 @p0 $0x1  }
0x13: {  	[smem:$0x3FB7] =	sst s0;
	s0 =	simm.s32 @!p1 $0x0  }
0x14: {  	s2 =	sld [smem:$0x3F9B];
	s0 =	simm.s32 @p1 $0x1  }
0x15: {  	[smem:$0x3FB8] =	sst s0;
	s0 =	simm.s32 @!p2 $0x0  }
0x16: {  	s3 =	sld [smem:$0x3FDB];
	s0 =	simm.s32 @p2 $0x1  }
0x17: {  	s4 =	simm.s32 $0x1BF5;
	[smem:$0x3FBA] =	sst s0  }
0x18: {  	s0 =	sld [smem:$0x3F9D];
	_ =	swait.ge [sflag:s4], $0x0  }
0x19: {  	s7 =	sld [smem:$0x3F9E]  }
0x1a: {  	s8 =	sadd.s32 $0xFFFFE003, lr  }
0x1b: {  	s9 =	sadd.s32 $0xFFFFFEF7, lr;
	s5 =	simm.s32 $0xFFFFFFFF;
	p2 =	slt.u32 s8, $0xFFFFF086  }
0x1c: {  	p1 =	slt.u32 s9, $0xF7A;
	s5 =	simm.s32 @!p2 $0x0  }
0x1d: {  	s5 =	simm.s32 @p1 $0x1;
	p0 =	seq.s32 s7, s2  }
0x1e: {  	s7 =	smul.u32 @!p0 $0xF7A, s2;
	p2 =	seq.s32 @!p0 s5, $0x0  }
0x1f: {  	s9 =	smul.u32 $0xF7A, s1;
	s8 =	simm.s32 @!p0 $0x1BF5;
	p2 =	por !p2, p0  }
0x20: {  	[sflag:s8] =	ssyncset.s32 @!p0 $0xFFFFF086;
	s6 =	sadd.s32 @!p0 s3, s7;
	s7 =	simm.s32 @!p0 $0x108  }
0x21: {  	s3 =	sadd.s32 s3, s9;
	s6 =	sadd.s32 @!p0 $0x88, s6;
	s7 =	simm.s32 @p2 $0x1082  }
0x22: {  	[simem:s7], [sflag:s8] =	dma.local @!p0 [hbm:s6], $0xF7A  }
0x23: {  	s9 =	sor.u32 $0xD0000000, s2;
	s6 =	simm.s32 $0x108;
	_ =	swait.ge @!p0 [sflag:s8], $0x0  }
0x24: {  	s3 =	sadd.s32 $0x88, s3;
	s6 =	simm.s32 @!p1 $0x1082;
	[sflag:s4] =	ssyncset.s32 $0xFFFFF086  }
0x25: {  	[simem:s6], [sflag:s4] =	dma.local [hbm:s3], $0xF7A  }
0x26: {  	[smem:$0x3F9E] =	sst s1;
	(tag) =	ssettag s2;
	_ =	strace s9  }
0x27: {  	s1 =	sld [smem:$0x3FAE]  }
0x28: {  	s2 =	sld [smem:$0x3FAF]  }
0x29: {  	s4 =	sld [smem:$0x3FB1]  }
0x2a: {  	p0 =	seq.s32 s5, $0x0;
	s5 =	sld [smem:$0x3FB2]  }
0x2b: {  	s6 =	sld [smem:$0x3FB3]  }
0x2c: {  	s7 =	sld [smem:$0x3FB4]  }
0x2d: {  	s3 =	simm.s32 $0x108;
	s8 =	sld [smem:$0x3FB5]  }
0x2e: {  	s3 =	simm.s32 @!p0 $0x1082;
	s9 =	sld [smem:$0x3FB6]  }
0x2f: {  	lr =	sadd.s32 s0, s3;
	s0 =	sld [smem:$0x3FAD]  }
0x30: {  	s3 =	sld [smem:$0x3FB0]  }
0x31: {  	[smem:$0x3FB9] =	sst s10  }
0x32: {  	s10 =	sld [smem:$0x3FB7];
	_ =	sdelay $0x3  }
0x33: {  	p0 =	seq.s32 s10, $0x1;
	s10 =	sld [smem:$0x3FB9];
	_ =	sdelay $0x3  }
0x34: {  	[smem:$0x3FB9] =	sst s10  }
0x35: {  	s10 =	sld [smem:$0x3FB8];
	_ =	sdelay $0x3  }
0x36: {  	p1 =	seq.s32 s10, $0x1;
	s10 =	sld [smem:$0x3FB9];
	_ =	sdelay $0x3  }
0x37: {  	[smem:$0x3FB9] =	sst s10  }
0x38: {  	s10 =	sld [smem:$0x3FBA]  }
0x39: {  	_ = 	snop;
	(pc) =	sbr.ind lr, $3  }
0x3a: {  	_ = 	snop  }
0x3b: {  	_ = 	snop  }
0x3c: {  	p2 =	seq.s32 s10, $0x1;
	s10 =	sld [smem:$0x3FB9]  }
0x3d: {  	_ =	shalt  }
0x3e: {  	_ =	shalt  }
0x3f: {  	_ =	shalt  }
0x40: {  	_ =	shalt  }
0x41: {  	_ =	shalt  }
0x42: {  	_ =	shalt  }
0x43: {  	_ =	shalt  }
0x44: {  	_ =	shalt  }
0x45: {  	_ =	shalt  }
0x46: {  	_ =	shalt  }
0x47: {  	_ =	shalt  }
0x48: {  	_ =	shalt  }
0x49: {  	_ =	shalt  }
0x4a: {  	_ =	shalt  }
0x4b: {  	_ =	shalt  }
0x4c: {  	_ =	shalt  }
0x4d: {  	_ =	shalt  }
0x4e: {  	_ =	shalt  }
0x4f: {  	_ =	shalt  }
0x50: {  	_ =	shalt  }
0x51: {  	_ =	shalt  }
0x52: {  	_ =	shalt  }
0x53: {  	_ =	shalt  }
0x54: {  	_ =	shalt  }
0x55: {  	_ =	shalt  }
0x56: {  	_ =	shalt  }
0x57: {  	_ =	shalt  }
0x58: {  	_ =	shalt  }
0x59: {  	_ =	shalt  }
0x5a: {  	_ =	shalt  }
0x5b: {  	_ =	shalt  }
0x5c: {  	_ =	shalt  }
0x5d: {  	_ =	shalt  }
0x5e: {  	_ =	shalt  }
0x5f: {  	_ =	shalt  }
0x60: {  	_ =	shalt  }
0x61: {  	_ =	shalt  }
0x62: {  	_ =	shalt  }
0x63: {  	_ =	shalt  }
0x64: {  	_ =	shalt  }
0x65: {  	_ =	shalt  }
0x66: {  	_ =	shalt  }
0x67: {  	_ =	shalt  }
0x68: {  	_ =	shalt  }
0x69: {  	_ =	shalt  }
0x6a: {  	_ =	shalt  }
0x6b: {  	_ =	shalt  }
0x6c: {  	_ =	shalt  }
0x6d: {  	_ =	shalt  }
0x6e: {  	_ =	shalt  }
0x6f: {  	_ =	shalt  }
0x70: {  	_ =	shalt  }
0x71: {  	_ =	shalt  }
0x72: {  	_ =	shalt  }
0x73: {  	_ =	shalt  }
0x74: {  	_ =	shalt  }
0x75: {  	_ =	shalt  }
0x76: {  	_ =	shalt  }
0x77: {  	_ =	shalt  }
0x78: {  	_ =	shalt  }
0x79: {  	_ =	shalt  }
0x7a: {  	_ =	shalt  }
0x7b: {  	_ =	shalt  }
0x7c: {  	_ =	shalt  }
0x7d: {  	_ =	shalt  }
0x7e: {  	_ =	shalt  }
0x7f: {  	_ =	shalt  }
0x80: {  	_ =	shalt  }
0x81: {  	_ =	shalt  }
0x82: {  	_ =	shalt  }
0x83: {  	_ =	shalt  }
0x84: {  	_ =	shalt  }
0x85: {  	_ =	shalt  }
0x86: {  	_ =	shalt  }
0x87: {  	_ =	shalt  }
.Lfunc_end0:
.L_simem_size_0:
called_computation_lowered:
.L_overlay_start_0:
0x88: {  	s2 =	sld [smem:$0x3FD9]  }
0x89: {  	s3 =	sld [smem:$0x3FFE];
	_ =	sdelay $0x1  }
0x8a: {  	s1 =	srdreg.scid  }
0x8b: {  	s0 =	sand.u32 $0x1, s1  }
0x8c: {  	s17 =	sshll.u32 s0, $0xA;
	s2 =	sadd.s32 s3, s2  }
0x8d: {  	s2 =	sadd.s32 s2, s17  }
0x8e: {  	[smem:$0x3FC5] =	sst s2  }
0x8f: {  	_ = 	snop  }
0x90: {  	s2 =	sld [smem:$0x3FD0];
	(tm) =	ssettm $0x1  }
0x91: {  	s18 =	sld [smem:$0x3FFB];
	_ =	sdelay $0x3  }
0x92: {  	_ =	strace s18  }
0x93: {  	s3 =	sld [smem:$0x3FFC];
	_ =	sdelay $0x3  }
0x94: {  	_ =	strace s3  }
0x95: {  	s3 =	sld [smem:$0x3FFD];
	_ =	sdelay $0x3  }
0x96: {  	_ =	strace s3  }
0x97: {  	_ =	strace $0x8FFFFFFF  }
0x98: {  	s19 =	sld [smem:$0x3FDB];
	_ =	sdelay $0x1  }
0x99: {  	s4 =	simm.s32 $_scs_section_size  }
0x9a: {  	s5 =	simm.s32 $_size__tile_overlayer_lowered;
	s6 =	simm.s32 $_tile_overlayer_lowered  }
0x9b: {  	s22 =	simm.s32 $0x1BFF;
	s21 =	sshll.u32 s6, $0x1;
	s3 =	sadd.s32 s4, s19  }
0x9c: {  	s7 =	simm.s32 $0x0;
	s20 =	sshll.u32 s5, $0x1;
	s5 =	sadd.s32 s21, s3  }
0x9d: {  	[timem:s7], [sflag:s22] =	dma.local [hbm:s5], s20  }
0x9e: {  	_ =	swait.ge [sflag:s22], s20  }
0x9f: {  	s4 =	ssub.s32 $0x0, s20;
	[sflag:s22] =	ssyncset.done $0x0  }
0xa0: {  	[sflag:s22] =	ssyncadd.s32 s4;
	_ =	sdelay $0x1  }
0xa1: {  	s23 =	simm.s32 $0x1B8B  }
0xa2: {  	_ =	swait.ge [sflag:s23], $0x1  }
0xa3: {  	[sflag:s23] =	ssyncset.done $0x0  }
0xa4: {  	s25 =	simm.s32 $0x1B8E;
	s24 =	sld [smem:$0x3FFE];
	[sflag:s23] =	ssyncadd.s32 $0xFFFFFFFF  }
0xa5: {  	s26 =	simm.s32 $execute0_lowered;
	[smem:$0x3FD2] =	sst s25  }
0xa6: {  	s5 =	sshll.u32 s26, $0x1;
	_ =	strace $0x80000046;
	[dreg:$0x1] =	wrdreg $0xFFFFFFFF  }
0xa7: {  	s28 =	simm.s32 $_size_execute0_lowered;
	s3 =	sadd.s32 s3, s5;
	[dreg:$0x0] =	wrdreg $0x0  }
0xa8: {  	s5 =	sshll.u32 s28, $0x1;
	[dreg:$0x2] =	wrdreg s3  }
0xa9: {  	[dreg:$0x3] =	wrdreg s5  }
0xaa: {  	[dreg:$0x4] =	wrdreg $0xC0  }
0xab: {  	_ =	task [dreg:s7], $0x5FFFF  }
0xac: {  	[dreg:$0x1] =	wrdreg $0xFFFFFFFF  }
0xad: {  	[dreg:$0x0] =	wrdreg $0x60  }
0xae: {  	[dreg:$0x2] =	wrdreg s24  }
0xaf: {  	[dreg:$0x3] =	wrdreg s2  }
0xb0: {  	[dreg:$0x4] =	wrdreg $0x9  }
0xb1: {  	_ =	task.clear_ibuf [dreg:s7], $0x5FFFF;
	_ =	strace $0x90000046  }
0xb2: {  	s29 =	simm.s32 $0x9;
	_ =	strace $0x80000048  }
0xb3: {  	_ =	swait.ge [sflag:s29], $0x1  }
0xb4: {  	[sflag:s29] =	ssyncadd.s32 $0xFFFFFFFF  }
0xb5: {  	_ =	strace $0x90000048  }
0xb6: {  	_ =	sfence  }
0xb7: {  	s30 =	sld [smem:$0x0];
	_ =	sdelay $0x2  }
0xb8: {  	s31 =	sshll.u32 s1, $0xD;
	s1 =	sshrl.u32 s1, $0x2  }
0xb9: {  	s3 =	sand.u32 $0x4000, s31;
	s1 =	sadd.s32 s1, s30  }
0xba: {  	s0 =	sor.u32 s3, s0;
	s1 =	sshll.u32 s1, $0x11  }
0xbb: {  	s0 =	sor.u32 s1, s0  }
0xbc: {  	s0 =	sadd.s32 $0x8F2B, s0  }
0xbd: {  	[sflag:s0] =	ssyncadd.remote.s32 $0x1  }
0xbe: {  	_ =	sfence.sel $0xFFFF  }
0xbf: {  	[dreg:$0x0] =	wrdreg $0xFFFFFFFF;
	(pc) =	sbr.abs _section_cstart, $3  }
0xc0: {  	[dreg:$0x1] =	wrdreg $0xFFFFFFFF  }
0xc1: {  	_ =	task.clear_ibuf [dreg:s7], $0x2FFFF;
	_ =	strace $0x9FFFFFFF  }
0xc2: {  	(tm) =	ssettm $0x7FFFFFFF  }
0xc3: {  	_ =	shalt  }
tec
execute0_lowered:
.L_overlay_start_1:
0x0: {  	(tag) =	ssettag $0x1  }
0x1: {  	s0 =	rddreg [dreg:$0x0];
	s1 =	srdreg.scid  }
0x2: {  	s3 =	stileid.u32;
	s2 =	rddreg [dreg:$0x1];
	s18 =	simm.s32 $0x80  }
0x3: {  	s21 =	simm.s32 $0x1;
	s22 =	simm.s32 $0xD600;
	s15 =	simm.s32 $0x4  }
0x4: {  	s16 =	simm.s32 $0xF800;
	s19 =	simm.s32 $0x11648;
	s20 =	simm.s32 $0x116D0  }
0x5: {  	s23 =	simm.s32 $0x11758;
	s24 =	simm.s32 $0x117E0;
	s25 =	simm.s32 $0x11868  }
0x6: {  	s26 =	simm.s32 $0x118F0;
	s28 =	simm.s32 $0x11978;
	s1 =	sand.u32 $0x1, s1  }
0x7: {  	s4 =	sshll.u32 s3, $0x1;
	s3 =	simm.s32 $0x0;
	s8 =	sadd.s32 $0x1000, s2  }
0x8: {  	s9 =	sadd.s32 $0x2000, s2;
	s10 =	sadd.s32 $0x3000, s2;
	s11 =	sadd.s32 $0x4000, s2  }
0x9: {  	s12 =	sadd.s32 $0x5000, s2;
	s13 =	sadd.s32 $0x6000, s2;
	s5 =	sor.u32 s1, s4  }
0xa: {  	[smem:$0x7FF] =	sst s3;
	s1 =	ssub.s32 $0x2, s1;
	s4 =	smul.u32 $0xC80, s5  }
0xb: {  	s14 =	sadd.s32 $0x7000, s2;
	_ =	strace $0x80000047;
	s7 =	sshrl.u32 s1, $0x1  }
0xc: {  	v0 =	vlaneseq.u32;
	s6 =	sadd.s32 s4, s0;
	s4 =	sadd.s32 $0x1A000, s0;
	s0 =	sadd.s32 $0x800, s0  }
0xd: {  	v0 =	vmul.u32 $0x88, v0;
	s30 =	ssub.s32 s1, s7;
	[dreg:$0x3] =	wrdreg s0;
	s31 =	sadd.s32 $0x1000, s6  }
0xe: {  	s7 =	sshll.u32 s5, $0xA;
	s0 =	smax.u32 s30, $0x1;
	[dreg:$0x4] =	wrdreg s31  }
0xf: {  	v1 =	vadd.s32 $0x880, v0;
	v2 =	vadd.s32 $0x1100, v0;
	v3 =	vadd.s32 $0x1980, v0;
	s1 =	simm.s32 $0x0;
	s6 =	simm.s32 $0x2;
	[dreg:$0x5] =	wrdreg s0  }
.LBB2_1:
0x10: {  	[dreg:$0x6] =	wrdreg s1  }
0x11: {  	s0 =	rddreg [dreg:$0x4];
	s17 =	simm.s32 $0x5  }
0x12: {  	[tilespmem:s3], [sflag:$0x5] =	stream.linear.gather [hbm4b:s0+s3], $0x6400, $0x38;
	[tilespmem:$0x11A00] =	vst v63  }
0x13: {  	_ =	swait.ge [sflag:s17], $0x6400  }
0x14: {  	[sflag:s17] =	ssyncset.done $0x0  }
0x15: {  	s5 =	simm.s32 $0x6400;
	s30 =	rddreg [dreg:$0x3];
	[sflag:s17] =	ssyncadd.s32 $0xFFFF9C00  }
0x16: {  	[tilespmem:s5], [sflag:$0x5] =	stream.linear.gather [hbm4b:s30+s3], $0x3200, $0x38;
	[tilespmem:$0x11A00] =	vst v63  }
0x17: {  	_ =	swait.ge [sflag:s17], $0x3200  }
0x18: {  	[sflag:s17] =	ssyncset.done $0x0  }
0x19: {  	s31 =	simm.s32 $0x9600;
	s29 =	simm.s32 $0x0;
	[sflag:s17] =	ssyncadd.s32 $0xFFFFCE00  }
0x1a: {  	[tilespmem:s31], [sflag:$0x1] =	stream.indirect.gather [hbm4b:s4+s18], $0x40, s3, s18, $0xb8;
	[tilespmem:$0x11A00] =	vst v63  }
.LBB2_2:
0x1b: {  	s30 =	sshllo.u32 s29, $0x1  }
0x1c: {  	s0 =	sshll.u32 s30, $0x7  }
0x1d: {  	s1 =	simm.s32 $0xB600;
	s0 =	sand.u32 $0x3FFFFF80, s0  }
0x1e: {  	[tilespmem:s1], [sflag:$0x2] =	stream.indirect.gather [hbm4b:s4+s18], $0x40, s0, s18, $0xb8;
	[tilespmem:$0x11A00] =	vst v63  }
0x1f: {  	_ =	swait.ge [sflag:s21], $0x2000  }
0x20: {  	p0 =	seq.s32 s29, $0x0;
	[sflag:s21] =	ssyncset.done $0x0  }
0x21: {  	s0 =	simm.s32 @!p0 $0x3;
	[sflag:s21] =	ssyncadd.s32 $0xFFFFE000  }
0x22: {  	_ =	swait.ge @!p0 [sflag:s0], $0x400  }
0x23: {  	[sflag:s0] =	ssyncset.done @!p0 $0x0  }
0x24: {  	[sflag:s0] =	ssyncadd.s32 @!p0 $0xFFFFFC00  }
0x25: {  	_ =	swait.ge @!p0 [sflag:s0], $0x400  }
0x26: {  	[sflag:s0] =	ssyncset.done @!p0 $0x0  }
0x27: {  	[sflag:s0] =	ssyncadd.s32 @!p0 $0xFFFFFC00  }
0x28: {  	_ =	swait.ge @!p0 [sflag:s0], $0x400  }
0x29: {  	[sflag:s0] =	ssyncset.done @!p0 $0x0  }
0x2a: {  	[sflag:s0] =	ssyncadd.s32 @!p0 $0xFFFFFC00  }
0x2b: {  	_ =	swait.ge @!p0 [sflag:s0], $0x400  }
0x2c: {  	[sflag:s0] =	ssyncset.done @!p0 $0x0  }
0x2d: {  	[sflag:s0] =	ssyncadd.s32 @!p0 $0xFFFFFC00  }
0x2e: {  	_ =	swait.ge @!p0 [sflag:s0], $0x400  }
0x2f: {  	[sflag:s0] =	ssyncset.done @!p0 $0x0  }
0x30: {  	[sflag:s0] =	ssyncadd.s32 @!p0 $0xFFFFFC00  }
0x31: {  	_ =	swait.ge @!p0 [sflag:s0], $0x400  }
0x32: {  	[sflag:s0] =	ssyncset.done @!p0 $0x0  }
0x33: {  	[sflag:s0] =	ssyncadd.s32 @!p0 $0xFFFFFC00  }
0x34: {  	_ =	swait.ge @!p0 [sflag:s0], $0x400  }
0x35: {  	[sflag:s0] =	ssyncset.done @!p0 $0x0  }
0x36: {  	[sflag:s0] =	ssyncadd.s32 @!p0 $0xFFFFFC00  }
0x37: {  	_ =	swait.ge @!p0 [sflag:s0], $0x400  }
0x38: {  	s17 =	sshll.u32 s29, $0x7;
	[sflag:s0] =	ssyncset.done @!p0 $0x0  }
0x39: {  	[sflag:s0] =	ssyncadd.s32 @!p0 $0xFFFFFC00;
	s0 =	sand.u32 $0x3FFFFF80, s17  }
0x3a: {  	s5 =	simm.s32 $0x3;
	s17 =	simm.s32 $0x9680;
	v9 =	vld [tilespmem:s0+$0x6400]  }
0x3b: {  	v4 =	vmov s5;
	v7 =	vld [tilespmem:s17+$0x40]  }
0x3c: {  	v13 =	vand.u32 $0x7F, v4  }
0x3d: {  	s5 =	simm.s32 $0x0;
	v8 =	vadd.s32 v0, v13;
	v6 =	vld [tilespmem:s0+$0x6410]  }
0x3e: {  	s31 =	simm.s32 $0x2;
	v4 =	vmov s5;
	s5 =	simm.s32 $0x1;
	v10 =	vld [tilespmem:s17+$0xFFFFFF80]  }
0x3f: {  	v14 =	vmov s31;
	v12 =	vand.u32 $0x7C, v4;
	v4 =	vmov s5;
	v11 =	vld [tilespmem:s17+$0xFFFFFFC0]  }
0x40: {  	v15 =	vadd.s32 v0, v12;
	v19 =	vand.u32 $0x7D, v4;
	v16 =	vld [tilespmem:s17+$0x0];
	v7 =	vadd.f32 v7, v9  }
0x41: {  	v20 =	vand.u32 $0x7E, v14;
	v17 =	vadd.s32 v0, v19;
	v5 =	vld [tilespmem:s0+$0x6420]  }
0x42: {  	v14 =	vadd.s32 v0, v20;
	v4 =	vld [tilespmem:s0+$0x6430];
	[tilespmem:v8+s22+$0x0] =	vst.idx.msk $0xffff, v7  }
0x43: {  	v7 =	vadd.f32 v10, v9;
	v8 =	vld [tilespmem:s17+$0x50]  }
0x44: {  	v10 =	vadd.f32 v11, v9  }
0x45: {  	v11 =	vadd.s32 v1, v13;
	[tilespmem:v15+s22+$0x0] =	vst.idx.msk $0xffff, v7;
	v7 =	vadd.f32 v16, v9  }
0x46: {  	[tilespmem:v17+s22+$0x0] =	vst.idx.msk $0xffff, v10;
	v15 =	vld [tilespmem:s17+$0xFFFFFF90]  }
0x47: {  	v10 =	vld [tilespmem:s17+$0xFFFFFFD0];
	[tilespmem:v14+s22+$0x0] =	vst.idx.msk $0xffff, v7  }
0x48: {  	v14 =	vld [tilespmem:s17+$0x10];
	v7 =	vadd.f32 v8, v6  }
0x49: {  	s31 =	simm.s32 $0x9780;
	s5 =	simm.s32 $0x7;
	v16 =	vadd.s32 v1, v19  }
0x4a: {  	s1 =	simm.s32 $0x4;
	v26 =	vadd.s32 v2, v13;
	v18 =	vld [tilespmem:s31+$0x40];
	v17 =	vadd.s32 v1, v20;
	[tilespmem:v11+s22+$0x0] =	vst.idx.msk $0xffff, v7;
	v7 =	vmov s5  }
0x4b: {  	v21 =	vadd.s32 v1, v12;
	v8 =	vmov s1;
	v7 =	vand.u32 $0x7F, v7;
	v22 =	vld [tilespmem:s17+$0x60]  }
0x4c: {  	v23 =	vld [tilespmem:s31+$0xFFFFFF80];
	s1 =	simm.s32 $0x5;
	v8 =	vand.u32 $0x7C, v8;
	v10 =	vadd.f32 v10, v6;
	v24 =	vadd.s32 v0, v7  }
0x4d: {  	v25 =	vld [tilespmem:s31+$0xFFFFFFC0];
	v15 =	vadd.f32 v15, v6;
	s5 =	simm.s32 $0x6;
	v11 =	vadd.f32 v14, v6;
	v14 =	vmov s1  }
0x4e: {  	v27 =	vadd.s32 v0, v8;
	[tilespmem:v16+s22+$0x0] =	vst.idx.msk $0xffff, v10;
	v16 =	vmov s5;
	v10 =	vand.u32 $0x7D, v14;
	v14 =	vld [tilespmem:s31+$0x0]  }
0x4f: {  	[tilespmem:v17+s22+$0x0] =	vst.idx.msk $0xffff, v11;
	v17 =	vadd.s32 v0, v10;
	v11 =	vand.u32 $0x7E, v16;
	v16 =	vadd.f32 v18, v9;
	v18 =	vld [tilespmem:s17+$0xFFFFFFE0]  }
0x50: {  	[tilespmem:v21+s22+$0x0] =	vst.idx.msk $0xffff, v15;
	v15 =	vadd.s32 v0, v11;
	v21 =	vld [tilespmem:s17+$0x20];
	v22 =	vadd.f32 v22, v5  }
0x51: {  	v23 =	vadd.f32 v23, v9;
	[tilespmem:v24+s22+$0x0] =	vst.idx.msk $0xffff, v16;
	v16 =	vld [tilespmem:s17+$0xFFFFFFA0];
	v24 =	vadd.s32 v2, v19  }
0x52: {  	v29 =	vadd.s32 v2, v20;
	v25 =	vadd.f32 v25, v9;
	v28 =	vld [tilespmem:s31+$0x50];
	[tilespmem:v26+s22+$0x0] =	vst.idx.msk $0xffff, v22  }
0x53: {  	[tilespmem:v27+s22+$0x0] =	vst.idx.msk $0xffff, v23;
	v23 =	vadd.s32 v2, v12;
	v14 =	vadd.f32 v14, v9;
	v26 =	vld [tilespmem:s17+$0x70]  }
0x54: {  	v27 =	vld [tilespmem:s31+$0xFFFFFF90];
	[tilespmem:v17+s22+$0x0] =	vst.idx.msk $0xffff, v25;
	v25 =	vadd.s32 v1, v7;
	v18 =	vadd.f32 v18, v5  }
0x55: {  	v31 =	vadd.s32 v3, v13;
	v30 =	vld [tilespmem:s31+$0xFFFFFFD0];
	[tilespmem:v15+s22+$0x0] =	vst.idx.msk $0xffff, v14;
	v14 =	vadd.f32 v21, v5  }
0x56: {  	v22 =	vadd.s32 v1, v8;
	v17 =	vld [tilespmem:s31+$0x10];
	v13 =	vadd.f32 v16, v5;
	[tilespmem:v24+s22+$0x0] =	vst.idx.msk $0xffff, v18  }
0x57: {  	s0 =	simm.s32 $0x8;
	v21 =	vadd.s32 v1, v10;
	[tilespmem:v29+s22+$0x0] =	vst.idx.msk $0xffff, v14;
	v18 =	vadd.f32 v28, v6;
	v16 =	vld [tilespmem:s17+$0xFFFFFFF0]  }
0x58: {  	v24 =	vmov s0;
	v14 =	vadd.s32 v1, v11;
	v15 =	vld [tilespmem:s17+$0x30];
	[tilespmem:v23+s22+$0x0] =	vst.idx.msk $0xffff, v13;
	v63 =	vadd.f32 v26, v4  }
0x59: {  	s5 =	simm.s32 $0xB;
	s1 =	simm.s32 $0x9880;
	v19 =	vadd.s32 v3, v19;
	v13 =	vand.u32 $0x7C, v24;
	v24 =	vadd.f32 v27, v6;
	[tilespmem:v25+s22+$0x0] =	vst.idx.msk $0xffff, v18;
	v18 =	vld [tilespmem:s17+$0xFFFFFFB0]  }
0x5a: {  	v20 =	vadd.s32 v3, v20;
	v26 =	vmov s5;
	v23 =	vld [tilespmem:s1+$0x40];
	s17 =	simm.s32 $0xC;
	v25 =	vadd.f32 v30, v6;
	[tilespmem:v31+s22+$0x0] =	vst.idx.msk $0xffff, v63  }
.LBB2_3:
0x5b: {  	p1 =	slt.u32 s17, $0x7C;
	s5 =	sadd.s32 $0x1, s0;
	v26 =	vand.u32 $0x7F, v26;
	[tilespmem:v22+s22+$0x0] =	vst.idx.msk $0xffff, v24;
	v17 =	vadd.f32 v17, v6;
	v22 =	vld [tilespmem:s31+$0x60];
	v24 =	vadd.s32 v3, v12  }
0x5c: {  	v30 =	vmovc v11;
	v27 =	vld [tilespmem:s1+$0xFFFFFF80];
	v28 =	vmov s5;
	s5 =	sadd.s32 $0x2, s0;
	v29 =	vadd.s32 v0, v26;
	[tilespmem:v21+s22+$0x0] =	vst.idx.msk $0xffff, v25;
	v16 =	vadd.f32 v16, v4;
	s0 =	smov.u32 s17  }
0x5d: {  	v12 =	vmovc v8;
	v21 =	vld [tilespmem:s1+$0xFFFFFFC0];
	v11 =	vmov s5;
	[tilespmem:v14+s22+$0x0] =	vst.idx.msk $0xffff, v17;
	v14 =	vadd.s32 v2, v7;
	v15 =	vadd.f32 v15, v4  }
0x5e: {  	v17 =	vadd.s32 v0, v13;
	v28 =	vand.u32 $0x7D, v28;
	v25 =	vld [tilespmem:s1+$0x0];
	v31 =	vadd.f32 v18, v4;
	[tilespmem:v19+s22+$0x0] =	vst.idx.msk $0xffff, v16  }
0x5f: {  	v16 =	vadd.s32 v0, v28;
	v11 =	vand.u32 $0x7E, v11;
	v18 =	vadd.f32 v23, v9;
	v19 =	vld [tilespmem:s31+$0xFFFFFFE0];
	[tilespmem:v20+s22+$0x0] =	vst.idx.msk $0xffff, v15  }
0x60: {  	v8 =	vmov v13;
	v15 =	vadd.s32 v0, v11;
	v20 =	vld [tilespmem:s31+$0x20];
	v22 =	vadd.f32 v22, v5;
	[tilespmem:v24+s22+$0x0] =	vst.idx.msk $0xffff, v31  }
0x61: {  	v23 =	vadd.s32 v2, v10;
	v13 =	vadd.f32 v27, v9;
	[tilespmem:v29+s22+$0x0] =	vst.idx.msk $0xffff, v18;
	v18 =	vld [tilespmem:s31+$0xFFFFFFA0]  }
0x62: {  	v27 =	vadd.s32 v2, v30;
	v21 =	vadd.f32 v21, v9;
	v24 =	vld [tilespmem:s1+$0x50];
	[tilespmem:v14+s22+$0x0] =	vst.idx.msk $0xffff, v22  }
0x63: {  	[tilespmem:v17+s22+$0x0] =	vst.idx.msk $0xffff, v13;
	v13 =	vadd.f32 v25, v9;
	v25 =	vadd.s32 v2, v12;
	v29 =	vld [tilespmem:s31+$0x70]  }
0x64: {  	v32 =	vadd.s32 v1, v26;
	v31 =	vld [tilespmem:s1+$0xFFFFFF90];
	[tilespmem:v16+s22+$0x0] =	vst.idx.msk $0xffff, v21;
	v14 =	vadd.f32 v19, v5  }
0x65: {  	v34 =	vadd.s32 v3, v7;
	v7 =	vmov v26;
	v33 =	vld [tilespmem:s1+$0xFFFFFFD0];
	[tilespmem:v15+s22+$0x0] =	vst.idx.msk $0xffff, v13;
	v13 =	vadd.f32 v20, v5  }
.Ltmp0:
0x66: {  	v22 =	vadd.s32 v1, v8;
	v17 =	vld [tilespmem:s1+$0x10];
	v15 =	vadd.f32 v18, v5;
	[tilespmem:v23+s22+$0x0] =	vst.idx.msk $0xffff, v14;
	(pc) =	sbr.rel @p1 .LBB2_3-.Ltmp0, $4  }
0x67: {  	v21 =	vadd.s32 v1, v28;
	v18 =	vadd.f32 v24, v6;
	v16 =	vld [tilespmem:s31+$0xFFFFFFF0];
	[tilespmem:v27+s22+$0x0] =	vst.idx.msk $0xffff, v13  }
0x68: {  	v14 =	vadd.s32 v1, v11;
	v13 =	vmov s17;
	[tilespmem:v25+s22+$0x0] =	vst.idx.msk $0xffff, v15;
	v15 =	vld [tilespmem:s31+$0x30];
	v27 =	vadd.f32 v29, v4  }
0x69: {  	s5 =	sadd.s32 $0x3, s17;
	v19 =	vadd.s32 v3, v10;
	v13 =	vand.u32 $0x7C, v13;
	v24 =	vadd.f32 v31, v6;
	[tilespmem:v32+s22+$0x0] =	vst.idx.msk $0xffff, v18;
	v18 =	vld [tilespmem:s31+$0xFFFFFFB0];
	s31 =	smov.u32 s1;
	s1 =	sadd.s32 $0x100, s1  }
0x6a: {  	v26 =	vmov s5;
	v10 =	vmovc v28;
	v20 =	vadd.s32 v3, v30;
	s17 =	sadd.s32 $0x4, s17;
	v23 =	vld [tilespmem:s1+$0x40];
	v25 =	vadd.f32 v33, v6;
	[tilespmem:v34+s22+$0x0] =	vst.idx.msk $0xffff, v27  }
0x6b: {  	s5 =	sadd.s32 $0x1, s0  }
0x6c: {  	v26 =	vand.u32 $0x7F, v26;
	v28 =	vld [tilespmem:s1+$0xFFFFFFC0];
	v27 =	vmov s5;
	s5 =	sadd.s32 $0x2, s0  }
0x6d: {  	v31 =	vld [tilespmem:s1+$0x0];
	v29 =	vadd.s32 v0, v26;
	v30 =	vmov s5;
	v27 =	vand.u32 $0x7D, v27  }
0x6e: {  	v32 =	vld [tilespmem:s1+$0xFFFFFF80];
	v33 =	vadd.s32 v0, v27;
	v30 =	vand.u32 $0x7E, v30  }
0x6f: {  	v34 =	vadd.s32 v0, v30  }
0x70: {  	[tilespmem:v22+s22+$0x0] =	vst.idx.msk $0xffff, v24;
	v44 =	vadd.s32 v0, v13;
	v23 =	vadd.f32 v23, v9  }
0x71: {  	[tilespmem:v21+s22+$0x0] =	vst.idx.msk $0xffff, v25;
	v45 =	vadd.f32 v28, v9  }
0x72: {  	v46 =	vadd.f32 v31, v9;
	[tilespmem:v29+s22+$0x0] =	vst.idx.msk $0xffff, v23  }
0x73: {  	v47 =	vadd.f32 v32, v9;
	v48 =	vld [tilespmem:s1+$0x50];
	[tilespmem:v33+s22+$0x0] =	vst.idx.msk $0xffff, v45  }
0x74: {  	v17 =	vadd.f32 v17, v6;
	v12 =	vadd.s32 v3, v12;
	v21 =	vld [tilespmem:s1+$0xFFFFFFD0];
	[tilespmem:v34+s22+$0x0] =	vst.idx.msk $0xffff, v46  }
0x75: {  	v16 =	vadd.f32 v16, v4;
	v49 =	vadd.s32 v1, v26;
	[tilespmem:v44+s22+$0x0] =	vst.idx.msk $0xffff, v47;
	v50 =	vld [tilespmem:s1+$0x10]  }
0x76: {  	[tilespmem:v14+s22+$0x0] =	vst.idx.msk $0xffff, v17;
	v51 =	vadd.f32 v15, v4;
	v53 =	vadd.s32 v1, v27;
	v52 =	vld [tilespmem:s1+$0xFFFFFF90]  }
0x77: {  	v54 =	vld [tilespmem:s31+$0x60];
	v18 =	vadd.f32 v18, v4;
	[tilespmem:v19+s22+$0x0] =	vst.idx.msk $0xffff, v16;
	v55 =	vadd.s32 v1, v30  }
0x78: {  	v57 =	vadd.s32 v1, v13;
	v60 =	vld [tilespmem:s31+$0x20];
	[tilespmem:v20+s22+$0x0] =	vst.idx.msk $0xffff, v51;
	v58 =	vadd.f32 v48, v6  }
0x79: {  	v59 =	vadd.s32 v2, v7;
	v56 =	vld [tilespmem:s31+$0xFFFFFFE0];
	[tilespmem:v12+s22+$0x0] =	vst.idx.msk $0xffff, v18;
	v61 =	vadd.f32 v21, v6  }
0x7a: {  	v62 =	vld [tilespmem:s31+$0xFFFFFFA0];
	v29 =	vadd.s32 v2, v11;
	[tilespmem:v49+s22+$0x0] =	vst.idx.msk $0xffff, v58;
	v28 =	vadd.f32 v50, v6  }
0x7b: {  	v63 =	vadd.s32 v2, v10;
	v31 =	vadd.f32 v52, v6;
	v32 =	vld [tilespmem:s1+$0x60];
	[tilespmem:v53+s22+$0x0] =	vst.idx.msk $0xffff, v61  }
0x7c: {  	v33 =	vadd.f32 v54, v5;
	v34 =	vadd.s32 v2, v8;
	[tilespmem:v55+s22+$0x0] =	vst.idx.msk $0xffff, v28;
	v35 =	vld [tilespmem:s1+$0xFFFFFFE0]  }
0x7d: {  	v37 =	vadd.s32 v2, v26;
	v39 =	vadd.f32 v60, v5;
	[tilespmem:v57+s22+$0x0] =	vst.idx.msk $0xffff, v31;
	v38 =	vld [tilespmem:s1+$0x20]  }
0x7e: {  	v41 =	vadd.s32 v2, v27;
	v36 =	vadd.f32 v56, v5;
	[tilespmem:v59+s22+$0x0] =	vst.idx.msk $0xffff, v33;
	v40 =	vld [tilespmem:s1+$0xFFFFFFA0]  }
0x7f: {  	v43 =	vadd.s32 v2, v30;
	v18 =	vadd.f32 v62, v5;
	v42 =	vld [tilespmem:s31+$0x70];
	[tilespmem:v29+s22+$0x0] =	vst.idx.msk $0xffff, v39  }
0x80: {  	v45 =	vadd.s32 v2, v13;
	[tilespmem:v63+s22+$0x0] =	vst.idx.msk $0xffff, v36;
	v47 =	vld [tilespmem:s31+$0x30];
	v44 =	vadd.f32 v32, v5  }
0x81: {  	v46 =	vadd.s32 v3, v7;
	v21 =	vld [tilespmem:s31+$0xFFFFFFF0];
	[tilespmem:v34+s22+$0x0] =	vst.idx.msk $0xffff, v18;
	v9 =	vadd.f32 v35, v5  }
0x82: {  	v18 =	vld [tilespmem:s31+$0xFFFFFFB0];
	v50 =	vadd.s32 v3, v11;
	[tilespmem:v37+s22+$0x0] =	vst.idx.msk $0xffff, v44;
	v49 =	vadd.f32 v38, v5  }
0x83: {  	v48 =	vadd.s32 v3, v10;
	v12 =	vld [tilespmem:s1+$0x70];
	v5 =	vadd.f32 v40, v5;
	[tilespmem:v41+s22+$0x0] =	vst.idx.msk $0xffff, v9  }
0x84: {  	v52 =	vadd.s32 v3, v8;
	v51 =	vadd.f32 v42, v4;
	v53 =	vld [tilespmem:s1+$0xFFFFFFF0];
	[tilespmem:v43+s22+$0x0] =	vst.idx.msk $0xffff, v49  }
0x85: {  	v55 =	vadd.s32 v3, v26;
	v56 =	vadd.f32 v47, v4;
	[tilespmem:v45+s22+$0x0] =	vst.idx.msk $0xffff, v5;
	v5 =	vld [tilespmem:s1+$0x30]  }
0x86: {  	v58 =	vadd.s32 v3, v27;
	[tilespmem:v46+s22+$0x0] =	vst.idx.msk $0xffff, v51;
	v54 =	vadd.f32 v21, v4;
	v57 =	vld [tilespmem:s1+$0xFFFFFFB0]  }
0x87: {  	v60 =	vadd.s32 v3, v30;
	v59 =	vadd.f32 v18, v4;
	[tilespmem:v50+s22+$0x0] =	vst.idx.msk $0xffff, v56  }
0x88: {  	v62 =	vadd.s32 v3, v13;
	[tilespmem:v48+s22+$0x0] =	vst.idx.msk $0xffff, v54;
	v61 =	vadd.f32 v12, v4  }
0x89: {  	[tilespmem:v52+s22+$0x0] =	vst.idx.msk $0xffff, v59;
	v63 =	vadd.f32 v53, v4  }
0x8a: {  	s17 =	sshll.u32 s29, $0x13;
	[tilespmem:v55+s22+$0x0] =	vst.idx.msk $0xffff, v61;
	v5 =	vadd.f32 v5, v4  }
0x8b: {  	s0 =	sor.u32 s7, s17;
	v4 =	vadd.f32 v57, v4;
	[tilespmem:v58+s22+$0x0] =	vst.idx.msk $0xffff, v63  }
0x8c: {  	s0 =	sshrl.u32 s0, $0x3;
	[tilespmem:v60+s22+$0x0] =	vst.idx.msk $0xffff, v5  }
0x8d: {  	s1 =	sadd.s32 s2, s0;
	[tilespmem:v62+s22+$0x0] =	vst.idx.msk $0xffff, v4  }
0x8e: {  	[hbm4b:s1+s3] =	stream.linear.scatter [tilespmem:s22], [sflag:$0x3], $0x80, $0x38;
	[tilespmem:$0x11A00] =	vst v63  }
0x8f: {  	s17 =	simm.s32 $0xD688;
	s31 =	sadd.s32 $0x10, s1  }
0x90: {  	[hbm4b:s31+s3] =	stream.linear.scatter [tilespmem:s17], [sflag:$0x3], $0x80, $0x38;
	[tilespmem:$0x11A00] =	vst v63  }
0x91: {  	s17 =	sadd.s32 $0x20, s1;
	s31 =	simm.s32 $0xD710  }
0x92: {  	[hbm4b:s17+s3] =	stream.linear.scatter [tilespmem:s31], [sflag:$0x3], $0x80, $0x38;
	[tilespmem:$0x11A00] =	vst v63  }
0x93: {  	s17 =	sadd.s32 $0x30, s1;
	s31 =	simm.s32 $0xD798  }
0x94: {  	[hbm4b:s17+s3] =	stream.linear.scatter [tilespmem:s31], [sflag:$0x3], $0x80, $0x38;
	[tilespmem:$0x11A00] =	vst v63  }
0x95: {  	s17 =	sadd.s32 $0x40, s1;
	s31 =	simm.s32 $0xD820  }
0x96: {  	[hbm4b:s17+s3] =	stream.linear.scatter [tilespmem:s31], [sflag:$0x3], $0x80, $0x38;
	[tilespmem:$0x11A00] =	vst v63  }
0x97: {  	s17 =	sadd.s32 $0x50, s1;
	s31 =	simm.s32 $0xD8A8  }
0x98: {  	[hbm4b:s17+s3] =	stream.linear.scatter [tilespmem:s31], [sflag:$0x3], $0x80, $0x38;
	[tilespmem:$0x11A00] =	vst v63  }
0x99: {  	s17 =	sadd.s32 $0x60, s1;
	s31 =	simm.s32 $0xD930  }
0x9a: {  	[hbm4b:s17+s3] =	stream.linear.scatter [tilespmem:s31], [sflag:$0x3], $0x80, $0x38;
	[tilespmem:$0x11A00] =	vst v63  }
0x9b: {  	s1 =	sadd.s32 $0x70, s1;
	s17 =	simm.s32 $0xD9B8  }
0x9c: {  	[hbm4b:s1+s3] =	stream.linear.scatter [tilespmem:s17], [sflag:$0x3], $0x80, $0x38;
	[tilespmem:$0x11A00] =	vst v63  }
0x9d: {  	s31 =	simm.s32 $0xDA40;
	s1 =	sadd.s32 s0, s8  }
0x9e: {  	[hbm4b:s1+s3] =	stream.linear.scatter [tilespmem:s31], [sflag:$0x3], $0x80, $0x38;
	[tilespmem:$0x11A00] =	vst v63  }
0x9f: {  	s17 =	sadd.s32 $0x10, s1;
	s31 =	simm.s32 $0xDAC8  }
0xa0: {  	[hbm4b:s17+s3] =	stream.linear.scatter [tilespmem:s31], [sflag:$0x3], $0x80, $0x38;
	[tilespmem:$0x11A00] =	vst v63  }
0xa1: {  	s17 =	sadd.s32 $0x20, s1;
	s31 =	simm.s32 $0xDB50  }
0xa2: {  	[hbm4b:s17+s3] =	stream.linear.scatter [tilespmem:s31], [sflag:$0x3], $0x80, $0x38;
	[tilespmem:$0x11A00] =	vst v63  }
0xa3: {  	s17 =	sadd.s32 $0x30, s1;
	s31 =	simm.s32 $0xDBD8  }
0xa4: {  	[hbm4b:s17+s3] =	stream.linear.scatter [tilespmem:s31], [sflag:$0x3], $0x80, $0x38;
	[tilespmem:$0x11A00] =	vst v63  }
0xa5: {  	s17 =	sadd.s32 $0x40, s1;
	s31 =	simm.s32 $0xDC60  }
0xa6: {  	[hbm4b:s17+s3] =	stream.linear.scatter [tilespmem:s31], [sflag:$0x3], $0x80, $0x38;
	[tilespmem:$0x11A00] =	vst v63  }
0xa7: {  	s17 =	sadd.s32 $0x50, s1;
	s31 =	simm.s32 $0xDCE8  }
0xa8: {  	[hbm4b:s17+s3] =	stream.linear.scatter [tilespmem:s31], [sflag:$0x3], $0x80, $0x38;
	[tilespmem:$0x11A00] =	vst v63  }
0xa9: {  	s17 =	sadd.s32 $0x60, s1;
	s31 =	simm.s32 $0xDD70  }
0xaa: {  	[hbm4b:s17+s3] =	stream.linear.scatter [tilespmem:s31], [sflag:$0x3], $0x80, $0x38;
	[tilespmem:$0x11A00] =	vst v63  }
0xab: {  	s1 =	sadd.s32 $0x70, s1;
	s17 =	simm.s32 $0xDDF8  }
0xac: {  	[hbm4b:s1+s3] =	stream.linear.scatter [tilespmem:s17], [sflag:$0x3], $0x80, $0x38;
	[tilespmem:$0x11A00] =	vst v63  }
0xad: {  	s31 =	simm.s32 $0xDE80;
	s1 =	sadd.s32 s0, s9  }
0xae: {  	[hbm4b:s1+s3] =	stream.linear.scatter [tilespmem:s31], [sflag:$0x3], $0x80, $0x38;
	[tilespmem:$0x11A00] =	vst v63  }
0xaf: {  	s17 =	sadd.s32 $0x10, s1;
	s31 =	simm.s32 $0xDF08  }
0xb0: {  	[hbm4b:s17+s3] =	stream.linear.scatter [tilespmem:s31], [sflag:$0x3], $0x80, $0x38;
	[tilespmem:$0x11A00] =	vst v63  }
0xb1: {  	s17 =	sadd.s32 $0x20, s1;
	s31 =	simm.s32 $0xDF90  }
0xb2: {  	[hbm4b:s17+s3] =	stream.linear.scatter [tilespmem:s31], [sflag:$0x3], $0x80, $0x38;
	[tilespmem:$0x11A00] =	vst v63  }
0xb3: {  	s17 =	sadd.s32 $0x30, s1;
	s31 =	simm.s32 $0xE018  }
0xb4: {  	[hbm4b:s17+s3] =	stream.linear.scatter [tilespmem:s31], [sflag:$0x3], $0x80, $0x38;
	[tilespmem:$0x11A00] =	vst v63  }
0xb5: {  	s17 =	sadd.s32 $0x40, s1;
	s31 =	simm.s32 $0xE0A0  }
0xb6: {  	[hbm4b:s17+s3] =	stream.linear.scatter [tilespmem:s31], [sflag:$0x3], $0x80, $0x38;
	[tilespmem:$0x11A00] =	vst v63  }
0xb7: {  	s17 =	sadd.s32 $0x50, s1;
	s31 =	simm.s32 $0xE128  }
0xb8: {  	[hbm4b:s17+s3] =	stream.linear.scatter [tilespmem:s31], [sflag:$0x3], $0x80, $0x38;
	[tilespmem:$0x11A00] =	vst v63  }
0xb9: {  	s17 =	sadd.s32 $0x60, s1;
	s31 =	simm.s32 $0xE1B0  }
0xba: {  	[hbm4b:s17+s3] =	stream.linear.scatter [tilespmem:s31], [sflag:$0x3], $0x80, $0x38;
	[tilespmem:$0x11A00] =	vst v63  }
0xbb: {  	s1 =	sadd.s32 $0x70, s1;
	s17 =	simm.s32 $0xE238  }
0xbc: {  	[hbm4b:s1+s3] =	stream.linear.scatter [tilespmem:s17], [sflag:$0x3], $0x80, $0x38;
	[tilespmem:$0x11A00] =	vst v63  }
0xbd: {  	s31 =	simm.s32 $0xE2C0;
	s1 =	sadd.s32 s0, s10  }
0xbe: {  	[hbm4b:s1+s3] =	stream.linear.scatter [tilespmem:s31], [sflag:$0x3], $0x80, $0x38;
	[tilespmem:$0x11A00] =	vst v63  }
0xbf: {  	s17 =	sadd.s32 $0x10, s1;
	s31 =	simm.s32 $0xE348  }
0xc0: {  	[hbm4b:s17+s3] =	stream.linear.scatter [tilespmem:s31], [sflag:$0x3], $0x80, $0x38;
	[tilespmem:$0x11A00] =	vst v63  }
0xc1: {  	s17 =	sadd.s32 $0x20, s1;
	s31 =	simm.s32 $0xE3D0  }
0xc2: {  	[hbm4b:s17+s3] =	stream.linear.scatter [tilespmem:s31], [sflag:$0x3], $0x80, $0x38;
	[tilespmem:$0x11A00] =	vst v63  }
0xc3: {  	s17 =	sadd.s32 $0x30, s1;
	s31 =	simm.s32 $0xE458  }
0xc4: {  	[hbm4b:s17+s3] =	stream.linear.scatter [tilespmem:s31], [sflag:$0x3], $0x80, $0x38;
	[tilespmem:$0x11A00] =	vst v63  }
0xc5: {  	s17 =	sadd.s32 $0x40, s1;
	s31 =	simm.s32 $0xE4E0  }
0xc6: {  	[hbm4b:s17+s3] =	stream.linear.scatter [tilespmem:s31], [sflag:$0x3], $0x80, $0x38;
	[tilespmem:$0x11A00] =	vst v63  }
0xc7: {  	s17 =	sadd.s32 $0x50, s1;
	s31 =	simm.s32 $0xE568  }
0xc8: {  	[hbm4b:s17+s3] =	stream.linear.scatter [tilespmem:s31], [sflag:$0x3], $0x80, $0x38;
	[tilespmem:$0x11A00] =	vst v63  }
0xc9: {  	s17 =	sadd.s32 $0x60, s1;
	s31 =	simm.s32 $0xE5F0  }
0xca: {  	[hbm4b:s17+s3] =	stream.linear.scatter [tilespmem:s31], [sflag:$0x3], $0x80, $0x38;
	[tilespmem:$0x11A00] =	vst v63  }
0xcb: {  	s1 =	sadd.s32 $0x70, s1;
	s17 =	simm.s32 $0xE678  }
0xcc: {  	[hbm4b:s1+s3] =	stream.linear.scatter [tilespmem:s17], [sflag:$0x3], $0x80, $0x38;
	[tilespmem:$0x11A00] =	vst v63  }
0xcd: {  	s31 =	simm.s32 $0xE700;
	s1 =	sadd.s32 s0, s11  }
0xce: {  	[hbm4b:s1+s3] =	stream.linear.scatter [tilespmem:s31], [sflag:$0x3], $0x80, $0x38;
	[tilespmem:$0x11A00] =	vst v63  }
0xcf: {  	s17 =	sadd.s32 $0x10, s1;
	s31 =	simm.s32 $0xE788  }
0xd0: {  	[hbm4b:s17+s3] =	stream.linear.scatter [tilespmem:s31], [sflag:$0x3], $0x80, $0x38;
	[tilespmem:$0x11A00] =	vst v63  }
0xd1: {  	s17 =	sadd.s32 $0x20, s1;
	s31 =	simm.s32 $0xE810  }
0xd2: {  	[hbm4b:s17+s3] =	stream.linear.scatter [tilespmem:s31], [sflag:$0x3], $0x80, $0x38;
	[tilespmem:$0x11A00] =	vst v63  }
0xd3: {  	s17 =	sadd.s32 $0x30, s1;
	s31 =	simm.s32 $0xE898  }
0xd4: {  	[hbm4b:s17+s3] =	stream.linear.scatter [tilespmem:s31], [sflag:$0x3], $0x80, $0x38;
	[tilespmem:$0x11A00] =	vst v63  }
0xd5: {  	s17 =	sadd.s32 $0x40, s1;
	s31 =	simm.s32 $0xE920  }
0xd6: {  	[hbm4b:s17+s3] =	stream.linear.scatter [tilespmem:s31], [sflag:$0x3], $0x80, $0x38;
	[tilespmem:$0x11A00] =	vst v63  }
0xd7: {  	s17 =	sadd.s32 $0x50, s1;
	s31 =	simm.s32 $0xE9A8  }
0xd8: {  	[hbm4b:s17+s3] =	stream.linear.scatter [tilespmem:s31], [sflag:$0x3], $0x80, $0x38;
	[tilespmem:$0x11A00] =	vst v63  }
0xd9: {  	s17 =	sadd.s32 $0x60, s1;
	s31 =	simm.s32 $0xEA30  }
0xda: {  	[hbm4b:s17+s3] =	stream.linear.scatter [tilespmem:s31], [sflag:$0x3], $0x80, $0x38;
	[tilespmem:$0x11A00] =	vst v63  }
0xdb: {  	s1 =	sadd.s32 $0x70, s1;
	s17 =	simm.s32 $0xEAB8  }
0xdc: {  	[hbm4b:s1+s3] =	stream.linear.scatter [tilespmem:s17], [sflag:$0x3], $0x80, $0x38;
	[tilespmem:$0x11A00] =	vst v63  }
0xdd: {  	s31 =	simm.s32 $0xEB40;
	s1 =	sadd.s32 s0, s12  }
0xde: {  	[hbm4b:s1+s3] =	stream.linear.scatter [tilespmem:s31], [sflag:$0x3], $0x80, $0x38;
	[tilespmem:$0x11A00] =	vst v63  }
0xdf: {  	s17 =	sadd.s32 $0x10, s1;
	s31 =	simm.s32 $0xEBC8  }
0xe0: {  	[hbm4b:s17+s3] =	stream.linear.scatter [tilespmem:s31], [sflag:$0x3], $0x80, $0x38;
	[tilespmem:$0x11A00] =	vst v63  }
0xe1: {  	s17 =	sadd.s32 $0x20, s1;
	s31 =	simm.s32 $0xEC50  }
0xe2: {  	[hbm4b:s17+s3] =	stream.linear.scatter [tilespmem:s31], [sflag:$0x3], $0x80, $0x38;
	[tilespmem:$0x11A00] =	vst v63  }
0xe3: {  	s17 =	sadd.s32 $0x30, s1;
	s31 =	simm.s32 $0xECD8  }
0xe4: {  	[hbm4b:s17+s3] =	stream.linear.scatter [tilespmem:s31], [sflag:$0x3], $0x80, $0x38;
	[tilespmem:$0x11A00] =	vst v63  }
0xe5: {  	s17 =	sadd.s32 $0x40, s1;
	s31 =	simm.s32 $0xED60  }
0xe6: {  	[hbm4b:s17+s3] =	stream.linear.scatter [tilespmem:s31], [sflag:$0x3], $0x80, $0x38;
	[tilespmem:$0x11A00] =	vst v63  }
0xe7: {  	s17 =	sadd.s32 $0x50, s1;
	s31 =	simm.s32 $0xEDE8  }
0xe8: {  	[hbm4b:s17+s3] =	stream.linear.scatter [tilespmem:s31], [sflag:$0x3], $0x80, $0x38;
	[tilespmem:$0x11A00] =	vst v63  }
0xe9: {  	s17 =	sadd.s32 $0x60, s1;
	s31 =	simm.s32 $0xEE70  }
0xea: {  	[hbm4b:s17+s3] =	stream.linear.scatter [tilespmem:s31], [sflag:$0x3], $0x80, $0x38;
	[tilespmem:$0x11A00] =	vst v63  }
0xeb: {  	s1 =	sadd.s32 $0x70, s1;
	s17 =	simm.s32 $0xEEF8  }
0xec: {  	[hbm4b:s1+s3] =	stream.linear.scatter [tilespmem:s17], [sflag:$0x3], $0x80, $0x38;
	[tilespmem:$0x11A00] =	vst v63  }
0xed: {  	s31 =	simm.s32 $0xEF80;
	s1 =	sadd.s32 s0, s13  }
0xee: {  	[hbm4b:s1+s3] =	stream.linear.scatter [tilespmem:s31], [sflag:$0x3], $0x80, $0x38;
	[tilespmem:$0x11A00] =	vst v63  }
0xef: {  	s17 =	sadd.s32 $0x10, s1;
	s31 =	simm.s32 $0xF008  }
0xf0: {  	[hbm4b:s17+s3] =	stream.linear.scatter [tilespmem:s31], [sflag:$0x3], $0x80, $0x38;
	[tilespmem:$0x11A00] =	vst v63  }
0xf1: {  	s17 =	sadd.s32 $0x20, s1;
	s31 =	simm.s32 $0xF090  }
0xf2: {  	[hbm4b:s17+s3] =	stream.linear.scatter [tilespmem:s31], [sflag:$0x3], $0x80, $0x38;
	[tilespmem:$0x11A00] =	vst v63  }
0xf3: {  	s17 =	sadd.s32 $0x30, s1;
	s31 =	simm.s32 $0xF118  }
0xf4: {  	[hbm4b:s17+s3] =	stream.linear.scatter [tilespmem:s31], [sflag:$0x3], $0x80, $0x38;
	[tilespmem:$0x11A00] =	vst v63  }
0xf5: {  	s17 =	sadd.s32 $0x40, s1;
	s31 =	simm.s32 $0xF1A0  }
0xf6: {  	[hbm4b:s17+s3] =	stream.linear.scatter [tilespmem:s31], [sflag:$0x3], $0x80, $0x38;
	[tilespmem:$0x11A00] =	vst v63  }
0xf7: {  	s17 =	sadd.s32 $0x50, s1;
	s31 =	simm.s32 $0xF228  }
0xf8: {  	[hbm4b:s17+s3] =	stream.linear.scatter [tilespmem:s31], [sflag:$0x3], $0x80, $0x38;
	[tilespmem:$0x11A00] =	vst v63  }
0xf9: {  	s17 =	sadd.s32 $0x60, s1;
	s31 =	simm.s32 $0xF2B0  }
0xfa: {  	[hbm4b:s17+s3] =	stream.linear.scatter [tilespmem:s31], [sflag:$0x3], $0x80, $0x38;
	[tilespmem:$0x11A00] =	vst v63  }
0xfb: {  	s1 =	sadd.s32 $0x70, s1;
	s31 =	simm.s32 $0xF338  }
0xfc: {  	[hbm4b:s1+s3] =	stream.linear.scatter [tilespmem:s31], [sflag:$0x3], $0x80, $0x38;
	[tilespmem:$0x11A00] =	vst v63  }
0xfd: {  	s5 =	simm.s32 $0xF3C0;
	s0 =	sadd.s32 s0, s14  }
0xfe: {  	[hbm4b:s0+s3] =	stream.linear.scatter [tilespmem:s5], [sflag:$0x3], $0x80, $0x38;
	[tilespmem:$0x11A00] =	vst v63  }
0xff: {  	s17 =	sadd.s32 $0x10, s0;
	s31 =	simm.s32 $0xF448  }
0x100: {  	[hbm4b:s17+s3] =	stream.linear.scatter [tilespmem:s31], [sflag:$0x3], $0x80, $0x38;
	[tilespmem:$0x11A00] =	vst v63  }
0x101: {  	s17 =	sadd.s32 $0x20, s0;
	s31 =	simm.s32 $0xF4D0  }
0x102: {  	[hbm4b:s17+s3] =	stream.linear.scatter [tilespmem:s31], [sflag:$0x3], $0x80, $0x38;
	[tilespmem:$0x11A00] =	vst v63  }
0x103: {  	s17 =	sadd.s32 $0x30, s0;
	s31 =	simm.s32 $0xF558  }
0x104: {  	[hbm4b:s17+s3] =	stream.linear.scatter [tilespmem:s31], [sflag:$0x3], $0x80, $0x38;
	[tilespmem:$0x11A00] =	vst v63  }
0x105: {  	s17 =	sadd.s32 $0x40, s0;
	s31 =	simm.s32 $0xF5E0  }
0x106: {  	[hbm4b:s17+s3] =	stream.linear.scatter [tilespmem:s31], [sflag:$0x3], $0x80, $0x38;
	[tilespmem:$0x11A00] =	vst v63  }
0x107: {  	p1 =	sne.s32 s29, $0x63;
	s17 =	sadd.s32 $0x50, s0;
	s31 =	simm.s32 $0xF668  }
0x108: {  	[hbm4b:s17+s3] =	stream.linear.scatter [tilespmem:s31], [sflag:$0x3], $0x80, $0x38;
	[tilespmem:$0x11A00] =	vst v63  }
.Ltmp1:
0x109: {  	_ = 	snop;
	(pc) =	sbr.rel @p1 .LBB2_6-.Ltmp1, $4  }
0x10a: {  	s5 =	sadd.s32 $0x60, s0;
	s17 =	simm.s32 $0xF6F0  }
0x10b: {  	[hbm4b:s5+s3] =	stream.linear.scatter [tilespmem:s17], [sflag:$0x3], $0x80, $0x38;
	[tilespmem:$0x11A00] =	vst v63  }
0x10c: {  	s0 =	sadd.s32 $0x70, s0;
	s31 =	simm.s32 $0xF778  }
0x10d: {  	[hbm4b:s0+s3] =	stream.linear.scatter [tilespmem:s31], [sflag:$0x3], $0x80, $0x38;
	[tilespmem:$0x11A00] =	vst v63  }
.Ltmp2:
0x10e: {  	(pc) =	sbr.rel .LBB2_7-.Ltmp2, $4  }
0x10f: {  	_ = 	snop  }
0x110: {  	_ =	swait.ge [sflag:s6], $0x2000  }
0x111: {  	[sflag:s6] =	ssyncset.done $0x0  }
0x112: {  	[sflag:s6] =	ssyncadd.s32 $0xFFFFE000  }
.LBB2_6:
0x113: {  	s0 =	sshll.u32 s29, $0x8  }
0x114: {  	s0 =	sand.u32 $0x3FFFFF00, s0  }
.Ltmp3:
0x115: {  	s1 =	simm.s32 $0x9600;
	s0 =	sadd.s32 $0x100, s0;
	(pc) =	sbr.rel @p0 .LBB2_8-.Ltmp3, $4  }
0x116: {  	[tilespmem:s1], [sflag:$0x1] =	stream.indirect.gather [hbm4b:s4+s18], $0x40, s0, s18, $0xb8;
	[tilespmem:$0x11A00] =	vst v63  }
0x117: {  	_ =	swait.ge [sflag:s6], $0x2000  }
0x118: {  	[sflag:s6] =	ssyncset.done $0x0  }
0x119: {  	[sflag:s6] =	ssyncadd.s32 $0xFFFFE000  }
.LBB2_7:
0x11a: {  	_ =	swait.ge [sflag:s15], $0x400  }
0x11b: {  	[sflag:s15] =	ssyncset.done $0x0  }
0x11c: {  	[sflag:s15] =	ssyncadd.s32 $0xFFFFFC00  }
0x11d: {  	_ =	swait.ge [sflag:s15], $0x400  }
0x11e: {  	[sflag:s15] =	ssyncset.done $0x0  }
0x11f: {  	[sflag:s15] =	ssyncadd.s32 $0xFFFFFC00  }
0x120: {  	_ =	swait.ge [sflag:s15], $0x400  }
0x121: {  	[sflag:s15] =	ssyncset.done $0x0  }
0x122: {  	[sflag:s15] =	ssyncadd.s32 $0xFFFFFC00  }
0x123: {  	_ =	swait.ge [sflag:s15], $0x400  }
0x124: {  	[sflag:s15] =	ssyncset.done $0x0  }
0x125: {  	[sflag:s15] =	ssyncadd.s32 $0xFFFFFC00  }
0x126: {  	_ =	swait.ge [sflag:s15], $0x400  }
0x127: {  	[sflag:s15] =	ssyncset.done $0x0  }
0x128: {  	[sflag:s15] =	ssyncadd.s32 $0xFFFFFC00  }
0x129: {  	_ =	swait.ge [sflag:s15], $0x400  }
0x12a: {  	[sflag:s15] =	ssyncset.done $0x0  }
0x12b: {  	[sflag:s15] =	ssyncadd.s32 $0xFFFFFC00  }
0x12c: {  	_ =	swait.ge [sflag:s15], $0x400  }
0x12d: {  	[sflag:s15] =	ssyncset.done $0x0  }
0x12e: {  	[sflag:s15] =	ssyncadd.s32 $0xFFFFFC00  }
0x12f: {  	_ =	swait.ge [sflag:s15], $0x400  }
0x130: {  	[sflag:s15] =	ssyncset.done $0x0  }
0x131: {  	[sflag:s15] =	ssyncadd.s32 $0xFFFFFC00  }
.LBB2_8:
0x132: {  	s0 =	sshll.u32 s30, $0x6;
	s17 =	simm.s32 $0xB680  }
0x133: {  	s1 =	simm.s32 $0x3;
	s0 =	sand.u32 $0x3FFFFFC0, s0;
	v7 =	vld [tilespmem:s17+$0x40]  }
0x134: {  	v4 =	vmov s1;
	v9 =	vld [tilespmem:s0+$0x6400]  }
0x135: {  	v13 =	vand.u32 $0x7F, v4  }
0x136: {  	s5 =	simm.s32 $0x0;
	v10 =	vld [tilespmem:s17+$0xFFFFFF80];
	v8 =	vadd.s32 v0, v13  }
0x137: {  	s1 =	simm.s32 $0x1;
	v11 =	vld [tilespmem:s17+$0xFFFFFFC0];
	v4 =	vmov s5;
	s5 =	simm.s32 $0x2  }
0x138: {  	v16 =	vld [tilespmem:s17+$0x0];
	v12 =	vand.u32 $0x7C, v4;
	v4 =	vmov s1;
	v14 =	vmov s5  }
0x139: {  	v6 =	vld [tilespmem:s0+$0x6410];
	v15 =	vadd.s32 v0, v12;
	v19 =	vand.u32 $0x7D, v4;
	v7 =	vadd.f32 v7, v9  }
0x13a: {  	v5 =	vld [tilespmem:s0+$0x6420];
	v20 =	vand.u32 $0x7E, v14;
	v17 =	vadd.s32 v0, v19  }
0x13b: {  	v4 =	vld [tilespmem:s0+$0x6430];
	v14 =	vadd.s32 v0, v20;
	[tilespmem:v8+s16+$0x0] =	vst.idx.msk $0xffff, v7  }
0x13c: {  	v7 =	vadd.f32 v10, v9;
	v8 =	vld [tilespmem:s17+$0x50]  }
0x13d: {  	v10 =	vadd.f32 v11, v9  }
0x13e: {  	v11 =	vadd.s32 v1, v13;
	[tilespmem:v15+s16+$0x0] =	vst.idx.msk $0xffff, v7;
	v7 =	vadd.f32 v16, v9  }
0x13f: {  	[tilespmem:v17+s16+$0x0] =	vst.idx.msk $0xffff, v10;
	v15 =	vld [tilespmem:s17+$0xFFFFFF90]  }
0x140: {  	v10 =	vld [tilespmem:s17+$0xFFFFFFD0];
	[tilespmem:v14+s16+$0x0] =	vst.idx.msk $0xffff, v7  }
0x141: {  	v14 =	vld [tilespmem:s17+$0x10];
	v7 =	vadd.f32 v8, v6  }
0x142: {  	s31 =	simm.s32 $0xB780;
	s5 =	simm.s32 $0x7;
	v16 =	vadd.s32 v1, v19  }
0x143: {  	v18 =	vld [tilespmem:s31+$0x40];
	s1 =	simm.s32 $0x4;
	v26 =	vadd.s32 v2, v13;
	v17 =	vadd.s32 v1, v20;
	[tilespmem:v11+s16+$0x0] =	vst.idx.msk $0xffff, v7;
	v7 =	vmov s5  }
0x144: {  	v21 =	vadd.s32 v1, v12;
	v8 =	vmov s1;
	v7 =	vand.u32 $0x7F, v7;
	v22 =	vld [tilespmem:s17+$0x60]  }
0x145: {  	v23 =	vld [tilespmem:s31+$0xFFFFFF80];
	s1 =	simm.s32 $0x5;
	v8 =	vand.u32 $0x7C, v8;
	v10 =	vadd.f32 v10, v6;
	v24 =	vadd.s32 v0, v7  }
0x146: {  	v25 =	vld [tilespmem:s31+$0xFFFFFFC0];
	v15 =	vadd.f32 v15, v6;
	s5 =	simm.s32 $0x6;
	v11 =	vadd.f32 v14, v6;
	v14 =	vmov s1  }
0x147: {  	v27 =	vadd.s32 v0, v8;
	[tilespmem:v16+s16+$0x0] =	vst.idx.msk $0xffff, v10;
	v16 =	vmov s5;
	v10 =	vand.u32 $0x7D, v14;
	v14 =	vld [tilespmem:s31+$0x0]  }
0x148: {  	[tilespmem:v17+s16+$0x0] =	vst.idx.msk $0xffff, v11;
	v17 =	vadd.s32 v0, v10;
	v11 =	vand.u32 $0x7E, v16;
	v16 =	vadd.f32 v18, v9;
	v18 =	vld [tilespmem:s17+$0xFFFFFFE0]  }
0x149: {  	[tilespmem:v21+s16+$0x0] =	vst.idx.msk $0xffff, v15;
	v15 =	vadd.s32 v0, v11;
	v21 =	vld [tilespmem:s17+$0x20];
	v22 =	vadd.f32 v22, v5  }
0x14a: {  	v23 =	vadd.f32 v23, v9;
	[tilespmem:v24+s16+$0x0] =	vst.idx.msk $0xffff, v16;
	v16 =	vld [tilespmem:s17+$0xFFFFFFA0];
	v24 =	vadd.s32 v2, v19  }
0x14b: {  	v29 =	vadd.s32 v2, v20;
	v25 =	vadd.f32 v25, v9;
	v28 =	vld [tilespmem:s31+$0x50];
	[tilespmem:v26+s16+$0x0] =	vst.idx.msk $0xffff, v22  }
0x14c: {  	[tilespmem:v27+s16+$0x0] =	vst.idx.msk $0xffff, v23;
	v23 =	vadd.s32 v2, v12;
	v14 =	vadd.f32 v14, v9;
	v26 =	vld [tilespmem:s17+$0x70]  }
0x14d: {  	v27 =	vld [tilespmem:s31+$0xFFFFFF90];
	[tilespmem:v17+s16+$0x0] =	vst.idx.msk $0xffff, v25;
	v25 =	vadd.s32 v1, v7;
	v18 =	vadd.f32 v18, v5  }
0x14e: {  	v31 =	vadd.s32 v3, v13;
	v30 =	vld [tilespmem:s31+$0xFFFFFFD0];
	[tilespmem:v15+s16+$0x0] =	vst.idx.msk $0xffff, v14;
	v14 =	vadd.f32 v21, v5  }
0x14f: {  	v22 =	vadd.s32 v1, v8;
	v17 =	vld [tilespmem:s31+$0x10];
	v13 =	vadd.f32 v16, v5;
	[tilespmem:v24+s16+$0x0] =	vst.idx.msk $0xffff, v18  }
0x150: {  	s0 =	simm.s32 $0x8;
	v21 =	vadd.s32 v1, v10;
	[tilespmem:v29+s16+$0x0] =	vst.idx.msk $0xffff, v14;
	v18 =	vadd.f32 v28, v6;
	v16 =	vld [tilespmem:s17+$0xFFFFFFF0]  }
0x151: {  	v24 =	vmov s0;
	v14 =	vadd.s32 v1, v11;
	v15 =	vld [tilespmem:s17+$0x30];
	[tilespmem:v23+s16+$0x0] =	vst.idx.msk $0xffff, v13;
	v63 =	vadd.f32 v26, v4  }
0x152: {  	s5 =	simm.s32 $0xB;
	s1 =	simm.s32 $0xB880;
	v19 =	vadd.s32 v3, v19;
	v13 =	vand.u32 $0x7C, v24;
	v24 =	vadd.f32 v27, v6;
	[tilespmem:v25+s16+$0x0] =	vst.idx.msk $0xffff, v18;
	v18 =	vld [tilespmem:s17+$0xFFFFFFB0]  }
0x153: {  	v20 =	vadd.s32 v3, v20;
	v26 =	vmov s5;
	v23 =	vld [tilespmem:s1+$0x40];
	s17 =	simm.s32 $0xC;
	v25 =	vadd.f32 v30, v6;
	[tilespmem:v31+s16+$0x0] =	vst.idx.msk $0xffff, v63  }
.LBB2_9:
0x154: {  	p0 =	slt.u32 s17, $0x7C;
	s5 =	sadd.s32 $0x1, s0;
	v26 =	vand.u32 $0x7F, v26;
	[tilespmem:v22+s16+$0x0] =	vst.idx.msk $0xffff, v24;
	v17 =	vadd.f32 v17, v6;
	v22 =	vld [tilespmem:s31+$0x60];
	v24 =	vadd.s32 v3, v12  }
0x155: {  	v30 =	vmovc v11;
	v27 =	vld [tilespmem:s1+$0xFFFFFF80];
	v28 =	vmov s5;
	s5 =	sadd.s32 $0x2, s0;
	v29 =	vadd.s32 v0, v26;
	[tilespmem:v21+s16+$0x0] =	vst.idx.msk $0xffff, v25;
	v16 =	vadd.f32 v16, v4;
	s0 =	smov.u32 s17  }
0x156: {  	v12 =	vmovc v8;
	v21 =	vld [tilespmem:s1+$0xFFFFFFC0];
	v11 =	vmov s5;
	[tilespmem:v14+s16+$0x0] =	vst.idx.msk $0xffff, v17;
	v14 =	vadd.s32 v2, v7;
	v15 =	vadd.f32 v15, v4  }
0x157: {  	v17 =	vadd.s32 v0, v13;
	v28 =	vand.u32 $0x7D, v28;
	v25 =	vld [tilespmem:s1+$0x0];
	v31 =	vadd.f32 v18, v4;
	[tilespmem:v19+s16+$0x0] =	vst.idx.msk $0xffff, v16  }
0x158: {  	v16 =	vadd.s32 v0, v28;
	v11 =	vand.u32 $0x7E, v11;
	v18 =	vadd.f32 v23, v9;
	v19 =	vld [tilespmem:s31+$0xFFFFFFE0];
	[tilespmem:v20+s16+$0x0] =	vst.idx.msk $0xffff, v15  }
0x159: {  	v8 =	vmov v13;
	v15 =	vadd.s32 v0, v11;
	v20 =	vld [tilespmem:s31+$0x20];
	v22 =	vadd.f32 v22, v5;
	[tilespmem:v24+s16+$0x0] =	vst.idx.msk $0xffff, v31  }
0x15a: {  	v23 =	vadd.s32 v2, v10;
	v13 =	vadd.f32 v27, v9;
	[tilespmem:v29+s16+$0x0] =	vst.idx.msk $0xffff, v18;
	v18 =	vld [tilespmem:s31+$0xFFFFFFA0]  }
0x15b: {  	v27 =	vadd.s32 v2, v30;
	v21 =	vadd.f32 v21, v9;
	v24 =	vld [tilespmem:s1+$0x50];
	[tilespmem:v14+s16+$0x0] =	vst.idx.msk $0xffff, v22  }
0x15c: {  	[tilespmem:v17+s16+$0x0] =	vst.idx.msk $0xffff, v13;
	v13 =	vadd.f32 v25, v9;
	v25 =	vadd.s32 v2, v12;
	v29 =	vld [tilespmem:s31+$0x70]  }
0x15d: {  	v32 =	vadd.s32 v1, v26;
	v31 =	vld [tilespmem:s1+$0xFFFFFF90];
	[tilespmem:v16+s16+$0x0] =	vst.idx.msk $0xffff, v21;
	v14 =	vadd.f32 v19, v5  }
0x15e: {  	v34 =	vadd.s32 v3, v7;
	v7 =	vmov v26;
	v33 =	vld [tilespmem:s1+$0xFFFFFFD0];
	[tilespmem:v15+s16+$0x0] =	vst.idx.msk $0xffff, v13;
	v13 =	vadd.f32 v20, v5  }
.Ltmp4:
0x15f: {  	v22 =	vadd.s32 v1, v8;
	v17 =	vld [tilespmem:s1+$0x10];
	v15 =	vadd.f32 v18, v5;
	[tilespmem:v23+s16+$0x0] =	vst.idx.msk $0xffff, v14;
	(pc) =	sbr.rel @p0 .LBB2_9-.Ltmp4, $4  }
0x160: {  	v21 =	vadd.s32 v1, v28;
	v18 =	vadd.f32 v24, v6;
	v16 =	vld [tilespmem:s31+$0xFFFFFFF0];
	[tilespmem:v27+s16+$0x0] =	vst.idx.msk $0xffff, v13  }
0x161: {  	v14 =	vadd.s32 v1, v11;
	v13 =	vmov s17;
	[tilespmem:v25+s16+$0x0] =	vst.idx.msk $0xffff, v15;
	v15 =	vld [tilespmem:s31+$0x30];
	v27 =	vadd.f32 v29, v4  }
0x162: {  	s5 =	sadd.s32 $0x3, s17;
	v19 =	vadd.s32 v3, v10;
	v13 =	vand.u32 $0x7C, v13;
	v24 =	vadd.f32 v31, v6;
	[tilespmem:v32+s16+$0x0] =	vst.idx.msk $0xffff, v18;
	v18 =	vld [tilespmem:s31+$0xFFFFFFB0];
	s31 =	smov.u32 s1;
	s1 =	sadd.s32 $0x100, s1  }
0x163: {  	v26 =	vmov s5;
	v10 =	vmovc v28;
	v20 =	vadd.s32 v3, v30;
	s17 =	sadd.s32 $0x4, s17;
	v23 =	vld [tilespmem:s1+$0x40];
	v25 =	vadd.f32 v33, v6;
	[tilespmem:v34+s16+$0x0] =	vst.idx.msk $0xffff, v27  }
0x164: {  	s5 =	sadd.s32 $0x1, s0  }
0x165: {  	v26 =	vand.u32 $0x7F, v26;
	s17 =	sadd.s32 $0x2, s0;
	v28 =	vld [tilespmem:s1+$0xFFFFFFC0];
	v27 =	vmov s5  }
0x166: {  	v31 =	vld [tilespmem:s1+$0x0];
	v29 =	vmov s17;
	v30 =	vadd.s32 v0, v26;
	v27 =	vand.u32 $0x7D, v27  }
0x167: {  	v32 =	vld [tilespmem:s1+$0xFFFFFF80];
	v29 =	vand.u32 $0x7E, v29;
	v33 =	vadd.s32 v0, v27  }
0x168: {  	v34 =	vadd.s32 v0, v29  }
0x169: {  	[tilespmem:v22+s16+$0x0] =	vst.idx.msk $0xffff, v24;
	v44 =	vadd.s32 v0, v13;
	v23 =	vadd.f32 v23, v9  }
0x16a: {  	[tilespmem:v21+s16+$0x0] =	vst.idx.msk $0xffff, v25;
	v45 =	vadd.f32 v28, v9  }
0x16b: {  	v46 =	vadd.f32 v31, v9;
	[tilespmem:v30+s16+$0x0] =	vst.idx.msk $0xffff, v23  }
0x16c: {  	v47 =	vadd.f32 v32, v9;
	v48 =	vld [tilespmem:s1+$0x50];
	[tilespmem:v33+s16+$0x0] =	vst.idx.msk $0xffff, v45  }
0x16d: {  	v17 =	vadd.f32 v17, v6;
	v12 =	vadd.s32 v3, v12;
	[tilespmem:v34+s16+$0x0] =	vst.idx.msk $0xffff, v46;
	v21 =	vld [tilespmem:s1+$0xFFFFFFD0]  }
0x16e: {  	v16 =	vadd.f32 v16, v4;
	v49 =	vadd.s32 v1, v26;
	[tilespmem:v44+s16+$0x0] =	vst.idx.msk $0xffff, v47;
	v50 =	vld [tilespmem:s1+$0x10]  }
0x16f: {  	[tilespmem:v14+s16+$0x0] =	vst.idx.msk $0xffff, v17;
	v51 =	vadd.f32 v15, v4;
	v53 =	vadd.s32 v1, v27;
	v52 =	vld [tilespmem:s1+$0xFFFFFF90]  }
0x170: {  	v54 =	vld [tilespmem:s31+$0x60];
	v18 =	vadd.f32 v18, v4;
	[tilespmem:v19+s16+$0x0] =	vst.idx.msk $0xffff, v16;
	v55 =	vadd.s32 v1, v29  }
0x171: {  	v57 =	vadd.s32 v1, v13;
	v60 =	vld [tilespmem:s31+$0x20];
	[tilespmem:v20+s16+$0x0] =	vst.idx.msk $0xffff, v51;
	v58 =	vadd.f32 v48, v6  }
0x172: {  	v59 =	vadd.s32 v2, v7;
	v56 =	vld [tilespmem:s31+$0xFFFFFFE0];
	[tilespmem:v12+s16+$0x0] =	vst.idx.msk $0xffff, v18;
	v61 =	vadd.f32 v21, v6  }
0x173: {  	v62 =	vld [tilespmem:s31+$0xFFFFFFA0];
	v30 =	vadd.s32 v2, v11;
	[tilespmem:v49+s16+$0x0] =	vst.idx.msk $0xffff, v58;
	v28 =	vadd.f32 v50, v6  }
0x174: {  	v63 =	vadd.s32 v2, v10;
	v31 =	vadd.f32 v52, v6;
	v32 =	vld [tilespmem:s1+$0x60];
	[tilespmem:v53+s16+$0x0] =	vst.idx.msk $0xffff, v61  }
0x175: {  	v33 =	vadd.f32 v54, v5;
	v34 =	vadd.s32 v2, v8;
	[tilespmem:v55+s16+$0x0] =	vst.idx.msk $0xffff, v28;
	v35 =	vld [tilespmem:s1+$0xFFFFFFE0]  }
0x176: {  	v37 =	vadd.s32 v2, v26;
	v39 =	vadd.f32 v60, v5;
	[tilespmem:v57+s16+$0x0] =	vst.idx.msk $0xffff, v31;
	v38 =	vld [tilespmem:s1+$0x20]  }
0x177: {  	v41 =	vadd.s32 v2, v27;
	v36 =	vadd.f32 v56, v5;
	[tilespmem:v59+s16+$0x0] =	vst.idx.msk $0xffff, v33;
	v40 =	vld [tilespmem:s1+$0xFFFFFFA0]  }
0x178: {  	v43 =	vadd.s32 v2, v29;
	v18 =	vadd.f32 v62, v5;
	v42 =	vld [tilespmem:s31+$0x70];
	[tilespmem:v30+s16+$0x0] =	vst.idx.msk $0xffff, v39  }
0x179: {  	v45 =	vadd.s32 v2, v13;
	[tilespmem:v63+s16+$0x0] =	vst.idx.msk $0xffff, v36;
	v47 =	vld [tilespmem:s31+$0x30];
	v44 =	vadd.f32 v32, v5  }
0x17a: {  	v46 =	vadd.s32 v3, v7;
	[tilespmem:v34+s16+$0x0] =	vst.idx.msk $0xffff, v18;
	v21 =	vld [tilespmem:s31+$0xFFFFFFF0];
	v9 =	vadd.f32 v35, v5  }
0x17b: {  	v18 =	vld [tilespmem:s31+$0xFFFFFFB0];
	v50 =	vadd.s32 v3, v11;
	[tilespmem:v37+s16+$0x0] =	vst.idx.msk $0xffff, v44;
	v49 =	vadd.f32 v38, v5  }
0x17c: {  	v48 =	vadd.s32 v3, v10;
	v5 =	vadd.f32 v40, v5;
	v12 =	vld [tilespmem:s1+$0x70];
	[tilespmem:v41+s16+$0x0] =	vst.idx.msk $0xffff, v9  }
0x17d: {  	v52 =	vadd.s32 v3, v8;
	v51 =	vadd.f32 v42, v4;
	[tilespmem:v43+s16+$0x0] =	vst.idx.msk $0xffff, v49;
	v53 =	vld [tilespmem:s1+$0xFFFFFFF0]  }
0x17e: {  	v55 =	vadd.s32 v3, v26;
	v56 =	vadd.f32 v47, v4;
	[tilespmem:v45+s16+$0x0] =	vst.idx.msk $0xffff, v5;
	v5 =	vld [tilespmem:s1+$0x30]  }
0x17f: {  	v58 =	vadd.s32 v3, v27;
	[tilespmem:v46+s16+$0x0] =	vst.idx.msk $0xffff, v51;
	v54 =	vadd.f32 v21, v4;
	v57 =	vld [tilespmem:s1+$0xFFFFFFB0]  }
0x180: {  	v60 =	vadd.s32 v3, v29;
	v59 =	vadd.f32 v18, v4;
	[tilespmem:v50+s16+$0x0] =	vst.idx.msk $0xffff, v56  }
0x181: {  	v62 =	vadd.s32 v3, v13;
	[tilespmem:v48+s16+$0x0] =	vst.idx.msk $0xffff, v54;
	v61 =	vadd.f32 v12, v4  }
0x182: {  	[tilespmem:v52+s16+$0x0] =	vst.idx.msk $0xffff, v59;
	v63 =	vadd.f32 v53, v4  }
0x183: {  	s30 =	sshll.u32 s30, $0x12;
	[tilespmem:v55+s16+$0x0] =	vst.idx.msk $0xffff, v61;
	v5 =	vadd.f32 v5, v4  }
0x184: {  	s0 =	sor.u32 s7, s30;
	v4 =	vadd.f32 v57, v4;
	[tilespmem:v58+s16+$0x0] =	vst.idx.msk $0xffff, v63  }
0x185: {  	s0 =	sshrl.u32 s0, $0x3;
	[tilespmem:v60+s16+$0x0] =	vst.idx.msk $0xffff, v5  }
0x186: {  	s1 =	sadd.s32 s2, s0;
	[tilespmem:v62+s16+$0x0] =	vst.idx.msk $0xffff, v4  }
0x187: {  	[hbm4b:s1+s3] =	stream.linear.scatter [tilespmem:s16], [sflag:$0x4], $0x80, $0x38;
	[tilespmem:$0x11A00] =	vst v63  }
0x188: {  	s17 =	simm.s32 $0xF888;
	s31 =	sadd.s32 $0x10, s1  }
0x189: {  	[hbm4b:s31+s3] =	stream.linear.scatter [tilespmem:s17], [sflag:$0x4], $0x80, $0x38;
	[tilespmem:$0x11A00] =	vst v63  }
0x18a: {  	s30 =	sadd.s32 $0x20, s1;
	s31 =	simm.s32 $0xF910  }
0x18b: {  	[hbm4b:s30+s3] =	stream.linear.scatter [tilespmem:s31], [sflag:$0x4], $0x80, $0x38;
	[tilespmem:$0x11A00] =	vst v63  }
0x18c: {  	s30 =	sadd.s32 $0x30, s1;
	s31 =	simm.s32 $0xF998  }
0x18d: {  	[hbm4b:s30+s3] =	stream.linear.scatter [tilespmem:s31], [sflag:$0x4], $0x80, $0x38;
	[tilespmem:$0x11A00] =	vst v63  }
0x18e: {  	s30 =	sadd.s32 $0x40, s1;
	s31 =	simm.s32 $0xFA20  }
0x18f: {  	[hbm4b:s30+s3] =	stream.linear.scatter [tilespmem:s31], [sflag:$0x4], $0x80, $0x38;
	[tilespmem:$0x11A00] =	vst v63  }
0x190: {  	s30 =	sadd.s32 $0x50, s1;
	s31 =	simm.s32 $0xFAA8  }
0x191: {  	[hbm4b:s30+s3] =	stream.linear.scatter [tilespmem:s31], [sflag:$0x4], $0x80, $0x38;
	[tilespmem:$0x11A00] =	vst v63  }
0x192: {  	s17 =	sadd.s32 $0x60, s1;
	s30 =	simm.s32 $0xFB30  }
0x193: {  	[hbm4b:s17+s3] =	stream.linear.scatter [tilespmem:s30], [sflag:$0x4], $0x80, $0x38;
	[tilespmem:$0x11A00] =	vst v63  }
0x194: {  	s1 =	sadd.s32 $0x70, s1;
	s31 =	simm.s32 $0xFBB8  }
0x195: {  	[hbm4b:s1+s3] =	stream.linear.scatter [tilespmem:s31], [sflag:$0x4], $0x80, $0x38;
	[tilespmem:$0x11A00] =	vst v63  }
0x196: {  	s17 =	simm.s32 $0xFC40;
	s1 =	sadd.s32 s0, s8  }
0x197: {  	[hbm4b:s1+s3] =	stream.linear.scatter [tilespmem:s17], [sflag:$0x4], $0x80, $0x38;
	[tilespmem:$0x11A00] =	vst v63  }
0x198: {  	s31 =	simm.s32 $0xFCC8;
	s30 =	sadd.s32 $0x10, s1  }
0x199: {  	[hbm4b:s30+s3] =	stream.linear.scatter [tilespmem:s31], [sflag:$0x4], $0x80, $0x38;
	[tilespmem:$0x11A00] =	vst v63  }
0x19a: {  	s30 =	sadd.s32 $0x20, s1;
	s31 =	simm.s32 $0xFD50  }
0x19b: {  	[hbm4b:s30+s3] =	stream.linear.scatter [tilespmem:s31], [sflag:$0x4], $0x80, $0x38;
	[tilespmem:$0x11A00] =	vst v63  }
0x19c: {  	s30 =	sadd.s32 $0x30, s1;
	s31 =	simm.s32 $0xFDD8  }
0x19d: {  	[hbm4b:s30+s3] =	stream.linear.scatter [tilespmem:s31], [sflag:$0x4], $0x80, $0x38;
	[tilespmem:$0x11A00] =	vst v63  }
0x19e: {  	s30 =	sadd.s32 $0x40, s1;
	s31 =	simm.s32 $0xFE60  }
0x19f: {  	[hbm4b:s30+s3] =	stream.linear.scatter [tilespmem:s31], [sflag:$0x4], $0x80, $0x38;
	[tilespmem:$0x11A00] =	vst v63  }
0x1a0: {  	s30 =	sadd.s32 $0x50, s1;
	s31 =	simm.s32 $0xFEE8  }
0x1a1: {  	[hbm4b:s30+s3] =	stream.linear.scatter [tilespmem:s31], [sflag:$0x4], $0x80, $0x38;
	[tilespmem:$0x11A00] =	vst v63  }
0x1a2: {  	s17 =	sadd.s32 $0x60, s1;
	s30 =	simm.s32 $0xFF70  }
0x1a3: {  	[hbm4b:s17+s3] =	stream.linear.scatter [tilespmem:s30], [sflag:$0x4], $0x80, $0x38;
	[tilespmem:$0x11A00] =	vst v63  }
0x1a4: {  	s1 =	sadd.s32 $0x70, s1;
	s31 =	simm.s32 $0xFFF8  }
0x1a5: {  	[hbm4b:s1+s3] =	stream.linear.scatter [tilespmem:s31], [sflag:$0x4], $0x80, $0x38;
	[tilespmem:$0x11A00] =	vst v63  }
0x1a6: {  	s17 =	simm.s32 $0x10080;
	s1 =	sadd.s32 s0, s9  }
0x1a7: {  	[hbm4b:s1+s3] =	stream.linear.scatter [tilespmem:s17], [sflag:$0x4], $0x80, $0x38;
	[tilespmem:$0x11A00] =	vst v63  }
0x1a8: {  	s31 =	simm.s32 $0x10108;
	s30 =	sadd.s32 $0x10, s1  }
0x1a9: {  	[hbm4b:s30+s3] =	stream.linear.scatter [tilespmem:s31], [sflag:$0x4], $0x80, $0x38;
	[tilespmem:$0x11A00] =	vst v63  }
0x1aa: {  	s30 =	sadd.s32 $0x20, s1;
	s31 =	simm.s32 $0x10190  }
0x1ab: {  	[hbm4b:s30+s3] =	stream.linear.scatter [tilespmem:s31], [sflag:$0x4], $0x80, $0x38;
	[tilespmem:$0x11A00] =	vst v63  }
0x1ac: {  	s30 =	sadd.s32 $0x30, s1;
	s31 =	simm.s32 $0x10218  }
0x1ad: {  	[hbm4b:s30+s3] =	stream.linear.scatter [tilespmem:s31], [sflag:$0x4], $0x80, $0x38;
	[tilespmem:$0x11A00] =	vst v63  }
0x1ae: {  	s30 =	sadd.s32 $0x40, s1;
	s31 =	simm.s32 $0x102A0  }
0x1af: {  	[hbm4b:s30+s3] =	stream.linear.scatter [tilespmem:s31], [sflag:$0x4], $0x80, $0x38;
	[tilespmem:$0x11A00] =	vst v63  }
0x1b0: {  	s30 =	sadd.s32 $0x50, s1;
	s31 =	simm.s32 $0x10328  }
0x1b1: {  	[hbm4b:s30+s3] =	stream.linear.scatter [tilespmem:s31], [sflag:$0x4], $0x80, $0x38;
	[tilespmem:$0x11A00] =	vst v63  }
0x1b2: {  	s17 =	sadd.s32 $0x60, s1;
	s30 =	simm.s32 $0x103B0  }
0x1b3: {  	[hbm4b:s17+s3] =	stream.linear.scatter [tilespmem:s30], [sflag:$0x4], $0x80, $0x38;
	[tilespmem:$0x11A00] =	vst v63  }
0x1b4: {  	s1 =	sadd.s32 $0x70, s1;
	s31 =	simm.s32 $0x10438  }
0x1b5: {  	[hbm4b:s1+s3] =	stream.linear.scatter [tilespmem:s31], [sflag:$0x4], $0x80, $0x38;
	[tilespmem:$0x11A00] =	vst v63  }
0x1b6: {  	s17 =	simm.s32 $0x104C0;
	s1 =	sadd.s32 s0, s10  }
0x1b7: {  	[hbm4b:s1+s3] =	stream.linear.scatter [tilespmem:s17], [sflag:$0x4], $0x80, $0x38;
	[tilespmem:$0x11A00] =	vst v63  }
0x1b8: {  	s31 =	simm.s32 $0x10548;
	s30 =	sadd.s32 $0x10, s1  }
0x1b9: {  	[hbm4b:s30+s3] =	stream.linear.scatter [tilespmem:s31], [sflag:$0x4], $0x80, $0x38;
	[tilespmem:$0x11A00] =	vst v63  }
0x1ba: {  	s30 =	sadd.s32 $0x20, s1;
	s31 =	simm.s32 $0x105D0  }
0x1bb: {  	[hbm4b:s30+s3] =	stream.linear.scatter [tilespmem:s31], [sflag:$0x4], $0x80, $0x38;
	[tilespmem:$0x11A00] =	vst v63  }
0x1bc: {  	s30 =	sadd.s32 $0x30, s1;
	s31 =	simm.s32 $0x10658  }
0x1bd: {  	[hbm4b:s30+s3] =	stream.linear.scatter [tilespmem:s31], [sflag:$0x4], $0x80, $0x38;
	[tilespmem:$0x11A00] =	vst v63  }
0x1be: {  	s30 =	sadd.s32 $0x40, s1;
	s31 =	simm.s32 $0x106E0  }
0x1bf: {  	[hbm4b:s30+s3] =	stream.linear.scatter [tilespmem:s31], [sflag:$0x4], $0x80, $0x38;
	[tilespmem:$0x11A00] =	vst v63  }
0x1c0: {  	s30 =	sadd.s32 $0x50, s1;
	s31 =	simm.s32 $0x10768  }
0x1c1: {  	[hbm4b:s30+s3] =	stream.linear.scatter [tilespmem:s31], [sflag:$0x4], $0x80, $0x38;
	[tilespmem:$0x11A00] =	vst v63  }
0x1c2: {  	s17 =	sadd.s32 $0x60, s1;
	s30 =	simm.s32 $0x107F0  }
0x1c3: {  	[hbm4b:s17+s3] =	stream.linear.scatter [tilespmem:s30], [sflag:$0x4], $0x80, $0x38;
	[tilespmem:$0x11A00] =	vst v63  }
0x1c4: {  	s1 =	sadd.s32 $0x70, s1;
	s31 =	simm.s32 $0x10878  }
0x1c5: {  	[hbm4b:s1+s3] =	stream.linear.scatter [tilespmem:s31], [sflag:$0x4], $0x80, $0x38;
	[tilespmem:$0x11A00] =	vst v63  }
0x1c6: {  	s17 =	simm.s32 $0x10900;
	s1 =	sadd.s32 s0, s11  }
0x1c7: {  	[hbm4b:s1+s3] =	stream.linear.scatter [tilespmem:s17], [sflag:$0x4], $0x80, $0x38;
	[tilespmem:$0x11A00] =	vst v63  }
0x1c8: {  	s31 =	simm.s32 $0x10988;
	s30 =	sadd.s32 $0x10, s1  }
0x1c9: {  	[hbm4b:s30+s3] =	stream.linear.scatter [tilespmem:s31], [sflag:$0x4], $0x80, $0x38;
	[tilespmem:$0x11A00] =	vst v63  }
0x1ca: {  	s30 =	sadd.s32 $0x20, s1;
	s31 =	simm.s32 $0x10A10  }
0x1cb: {  	[hbm4b:s30+s3] =	stream.linear.scatter [tilespmem:s31], [sflag:$0x4], $0x80, $0x38;
	[tilespmem:$0x11A00] =	vst v63  }
0x1cc: {  	s30 =	sadd.s32 $0x30, s1;
	s31 =	simm.s32 $0x10A98  }
0x1cd: {  	[hbm4b:s30+s3] =	stream.linear.scatter [tilespmem:s31], [sflag:$0x4], $0x80, $0x38;
	[tilespmem:$0x11A00] =	vst v63  }
0x1ce: {  	s30 =	sadd.s32 $0x40, s1;
	s31 =	simm.s32 $0x10B20  }
0x1cf: {  	[hbm4b:s30+s3] =	stream.linear.scatter [tilespmem:s31], [sflag:$0x4], $0x80, $0x38;
	[tilespmem:$0x11A00] =	vst v63  }
0x1d0: {  	s30 =	sadd.s32 $0x50, s1;
	s31 =	simm.s32 $0x10BA8  }
0x1d1: {  	[hbm4b:s30+s3] =	stream.linear.scatter [tilespmem:s31], [sflag:$0x4], $0x80, $0x38;
	[tilespmem:$0x11A00] =	vst v63  }
0x1d2: {  	s17 =	sadd.s32 $0x60, s1;
	s30 =	simm.s32 $0x10C30  }
0x1d3: {  	[hbm4b:s17+s3] =	stream.linear.scatter [tilespmem:s30], [sflag:$0x4], $0x80, $0x38;
	[tilespmem:$0x11A00] =	vst v63  }
0x1d4: {  	s1 =	sadd.s32 $0x70, s1;
	s31 =	simm.s32 $0x10CB8  }
0x1d5: {  	[hbm4b:s1+s3] =	stream.linear.scatter [tilespmem:s31], [sflag:$0x4], $0x80, $0x38;
	[tilespmem:$0x11A00] =	vst v63  }
0x1d6: {  	s17 =	simm.s32 $0x10D40;
	s1 =	sadd.s32 s0, s12  }
0x1d7: {  	[hbm4b:s1+s3] =	stream.linear.scatter [tilespmem:s17], [sflag:$0x4], $0x80, $0x38;
	[tilespmem:$0x11A00] =	vst v63  }
0x1d8: {  	s31 =	simm.s32 $0x10DC8;
	s30 =	sadd.s32 $0x10, s1  }
0x1d9: {  	[hbm4b:s30+s3] =	stream.linear.scatter [tilespmem:s31], [sflag:$0x4], $0x80, $0x38;
	[tilespmem:$0x11A00] =	vst v63  }
0x1da: {  	s30 =	sadd.s32 $0x20, s1;
	s31 =	simm.s32 $0x10E50  }
0x1db: {  	[hbm4b:s30+s3] =	stream.linear.scatter [tilespmem:s31], [sflag:$0x4], $0x80, $0x38;
	[tilespmem:$0x11A00] =	vst v63  }
0x1dc: {  	s30 =	sadd.s32 $0x30, s1;
	s31 =	simm.s32 $0x10ED8  }
0x1dd: {  	[hbm4b:s30+s3] =	stream.linear.scatter [tilespmem:s31], [sflag:$0x4], $0x80, $0x38;
	[tilespmem:$0x11A00] =	vst v63  }
0x1de: {  	s30 =	sadd.s32 $0x40, s1;
	s31 =	simm.s32 $0x10F60  }
0x1df: {  	[hbm4b:s30+s3] =	stream.linear.scatter [tilespmem:s31], [sflag:$0x4], $0x80, $0x38;
	[tilespmem:$0x11A00] =	vst v63  }
0x1e0: {  	s30 =	sadd.s32 $0x50, s1;
	s31 =	simm.s32 $0x10FE8  }
0x1e1: {  	[hbm4b:s30+s3] =	stream.linear.scatter [tilespmem:s31], [sflag:$0x4], $0x80, $0x38;
	[tilespmem:$0x11A00] =	vst v63  }
0x1e2: {  	s17 =	sadd.s32 $0x60, s1;
	s30 =	simm.s32 $0x11070  }
0x1e3: {  	[hbm4b:s17+s3] =	stream.linear.scatter [tilespmem:s30], [sflag:$0x4], $0x80, $0x38;
	[tilespmem:$0x11A00] =	vst v63  }
0x1e4: {  	s1 =	sadd.s32 $0x70, s1;
	s31 =	simm.s32 $0x110F8  }
0x1e5: {  	[hbm4b:s1+s3] =	stream.linear.scatter [tilespmem:s31], [sflag:$0x4], $0x80, $0x38;
	[tilespmem:$0x11A00] =	vst v63  }
0x1e6: {  	s17 =	simm.s32 $0x11180;
	s1 =	sadd.s32 s0, s13  }
0x1e7: {  	[hbm4b:s1+s3] =	stream.linear.scatter [tilespmem:s17], [sflag:$0x4], $0x80, $0x38;
	[tilespmem:$0x11A00] =	vst v63  }
0x1e8: {  	s31 =	simm.s32 $0x11208;
	s30 =	sadd.s32 $0x10, s1  }
0x1e9: {  	[hbm4b:s30+s3] =	stream.linear.scatter [tilespmem:s31], [sflag:$0x4], $0x80, $0x38;
	[tilespmem:$0x11A00] =	vst v63  }
0x1ea: {  	s30 =	sadd.s32 $0x20, s1;
	s31 =	simm.s32 $0x11290  }
0x1eb: {  	[hbm4b:s30+s3] =	stream.linear.scatter [tilespmem:s31], [sflag:$0x4], $0x80, $0x38;
	[tilespmem:$0x11A00] =	vst v63  }
0x1ec: {  	s30 =	sadd.s32 $0x30, s1;
	s31 =	simm.s32 $0x11318  }
0x1ed: {  	[hbm4b:s30+s3] =	stream.linear.scatter [tilespmem:s31], [sflag:$0x4], $0x80, $0x38;
	[tilespmem:$0x11A00] =	vst v63  }
0x1ee: {  	s30 =	sadd.s32 $0x40, s1;
	s31 =	simm.s32 $0x113A0  }
0x1ef: {  	[hbm4b:s30+s3] =	stream.linear.scatter [tilespmem:s31], [sflag:$0x4], $0x80, $0x38;
	[tilespmem:$0x11A00] =	vst v63  }
0x1f0: {  	s30 =	sadd.s32 $0x50, s1;
	s31 =	simm.s32 $0x11428  }
0x1f1: {  	[hbm4b:s30+s3] =	stream.linear.scatter [tilespmem:s31], [sflag:$0x4], $0x80, $0x38;
	[tilespmem:$0x11A00] =	vst v63  }
0x1f2: {  	s17 =	sadd.s32 $0x60, s1;
	s30 =	simm.s32 $0x114B0  }
0x1f3: {  	[hbm4b:s17+s3] =	stream.linear.scatter [tilespmem:s30], [sflag:$0x4], $0x80, $0x38;
	[tilespmem:$0x11A00] =	vst v63  }
0x1f4: {  	s1 =	sadd.s32 $0x70, s1;
	s31 =	simm.s32 $0x11538  }
0x1f5: {  	[hbm4b:s1+s3] =	stream.linear.scatter [tilespmem:s31], [sflag:$0x4], $0x80, $0x38;
	[tilespmem:$0x11A00] =	vst v63  }
0x1f6: {  	s0 =	sadd.s32 s0, s14;
	s17 =	simm.s32 $0x115C0  }
0x1f7: {  	[hbm4b:s0+s3] =	stream.linear.scatter [tilespmem:s17], [sflag:$0x4], $0x80, $0x38;
	[tilespmem:$0x11A00] =	vst v63  }
0x1f8: {  	s30 =	sadd.s32 $0x10, s0  }
0x1f9: {  	[hbm4b:s30+s3] =	stream.linear.scatter [tilespmem:s19], [sflag:$0x4], $0x80, $0x38;
	[tilespmem:$0x11A00] =	vst v63  }
0x1fa: {  	s31 =	sadd.s32 $0x20, s0  }
0x1fb: {  	[hbm4b:s31+s3] =	stream.linear.scatter [tilespmem:s20], [sflag:$0x4], $0x80, $0x38;
	[tilespmem:$0x11A00] =	vst v63  }
0x1fc: {  	s5 =	sadd.s32 $0x30, s0  }
0x1fd: {  	[hbm4b:s5+s3] =	stream.linear.scatter [tilespmem:s23], [sflag:$0x4], $0x80, $0x38;
	[tilespmem:$0x11A00] =	vst v63  }
0x1fe: {  	s29 =	sadd.s32 $0x1, s29;
	s17 =	sadd.s32 $0x40, s0  }
0x1ff: {  	[hbm4b:s17+s3] =	stream.linear.scatter [tilespmem:s24], [sflag:$0x4], $0x80, $0x38;
	[tilespmem:$0x11A00] =	vst v63  }
0x200: {  	p0 =	sne.s32 s29, $0x64;
	s30 =	sadd.s32 $0x50, s0  }
0x201: {  	[hbm4b:s30+s3] =	stream.linear.scatter [tilespmem:s25], [sflag:$0x4], $0x80, $0x38;
	[tilespmem:$0x11A00] =	vst v63  }
.Ltmp5:
0x202: {  	_ = 	snop;
	(pc) =	sbr.rel @p0 .LBB2_2-.Ltmp5, $4  }
0x203: {  	s31 =	sadd.s32 $0x60, s0  }
0x204: {  	[hbm4b:s31+s3] =	stream.linear.scatter [tilespmem:s26], [sflag:$0x4], $0x80, $0x38;
	[tilespmem:$0x11A00] =	vst v63  }
0x205: {  	s0 =	sadd.s32 $0x70, s0  }
0x206: {  	[hbm4b:s0+s3] =	stream.linear.scatter [tilespmem:s28], [sflag:$0x4], $0x80, $0x38;
	[tilespmem:$0x11A00] =	vst v63  }
0x207: {  	s0 =	simm.s32 $0x3  }
0x208: {  	_ =	swait.ge [sflag:s0], $0x400  }
0x209: {  	[sflag:s0] =	ssyncset.done $0x0  }
0x20a: {  	[sflag:s0] =	ssyncadd.s32 $0xFFFFFC00  }
0x20b: {  	_ =	swait.ge [sflag:s0], $0x400  }
0x20c: {  	[sflag:s0] =	ssyncset.done $0x0  }
0x20d: {  	[sflag:s0] =	ssyncadd.s32 $0xFFFFFC00  }
0x20e: {  	_ =	swait.ge [sflag:s0], $0x400  }
0x20f: {  	[sflag:s0] =	ssyncset.done $0x0  }
0x210: {  	[sflag:s0] =	ssyncadd.s32 $0xFFFFFC00  }
0x211: {  	_ =	swait.ge [sflag:s0], $0x400  }
0x212: {  	[sflag:s0] =	ssyncset.done $0x0  }
0x213: {  	[sflag:s0] =	ssyncadd.s32 $0xFFFFFC00  }
0x214: {  	_ =	swait.ge [sflag:s0], $0x400  }
0x215: {  	[sflag:s0] =	ssyncset.done $0x0  }
0x216: {  	[sflag:s0] =	ssyncadd.s32 $0xFFFFFC00  }
0x217: {  	_ =	swait.ge [sflag:s0], $0x400  }
0x218: {  	[sflag:s0] =	ssyncset.done $0x0  }
0x219: {  	[sflag:s0] =	ssyncadd.s32 $0xFFFFFC00  }
0x21a: {  	_ =	swait.ge [sflag:s0], $0x400  }
0x21b: {  	[sflag:s0] =	ssyncset.done $0x0  }
0x21c: {  	[sflag:s0] =	ssyncadd.s32 $0xFFFFFC00  }
0x21d: {  	_ =	swait.ge [sflag:s0], $0x400  }
0x21e: {  	[sflag:s0] =	ssyncset.done $0x0  }
0x21f: {  	[sflag:s0] =	ssyncadd.s32 $0xFFFFFC00  }
0x220: {  	_ =	swait.ge [sflag:s15], $0x400  }
0x221: {  	[sflag:s15] =	ssyncset.done $0x0  }
0x222: {  	[sflag:s15] =	ssyncadd.s32 $0xFFFFFC00  }
0x223: {  	_ =	swait.ge [sflag:s15], $0x400  }
0x224: {  	[sflag:s15] =	ssyncset.done $0x0  }
0x225: {  	[sflag:s15] =	ssyncadd.s32 $0xFFFFFC00  }
0x226: {  	_ =	swait.ge [sflag:s15], $0x400  }
0x227: {  	[sflag:s15] =	ssyncset.done $0x0  }
0x228: {  	[sflag:s15] =	ssyncadd.s32 $0xFFFFFC00  }
0x229: {  	_ =	swait.ge [sflag:s15], $0x400  }
0x22a: {  	[sflag:s15] =	ssyncset.done $0x0  }
0x22b: {  	[sflag:s15] =	ssyncadd.s32 $0xFFFFFC00  }
0x22c: {  	_ =	swait.ge [sflag:s15], $0x400  }
0x22d: {  	[sflag:s15] =	ssyncset.done $0x0  }
0x22e: {  	[sflag:s15] =	ssyncadd.s32 $0xFFFFFC00  }
0x22f: {  	_ =	swait.ge [sflag:s15], $0x400  }
0x230: {  	[sflag:s15] =	ssyncset.done $0x0  }
0x231: {  	[sflag:s15] =	ssyncadd.s32 $0xFFFFFC00  }
0x232: {  	_ =	swait.ge [sflag:s15], $0x400  }
0x233: {  	[sflag:s15] =	ssyncset.done $0x0  }
0x234: {  	[sflag:s15] =	ssyncadd.s32 $0xFFFFFC00  }
0x235: {  	_ =	swait.ge [sflag:s15], $0x400  }
0x236: {  	s1 =	rddreg [dreg:$0x6]  }
0x237: {  	s31 =	rddreg [dreg:$0x5];
	s1 =	sadd.s32 $0x1, s1  }
0x238: {  	p0 =	sne.s32 s1, s31  }
.Ltmp6:
0x239: {  	_ = 	snop;
	(pc) =	sbr.rel @p0 .LBB2_1-.Ltmp6, $3  }
0x23a: {  	_ =	sdelay $0x1  }
0x23b: {  	[sflag:s15] =	ssyncset.done $0x0  }
0x23c: {  	[sflag:s15] =	ssyncadd.s32 $0xFFFFFC00  }
0x23d: {  	_ =	sfence.sel $0x180000  }
0x23e: {  	[bflag:$0x0] =	sbarrier.arrive $0xFFFF  }
0x23f: {  	_ =	strace $0x90000047  }
0x240: {  	s0 =	stileid.u32;
	[bflag:$0x2] =	sbarrier.arrive $0xFFFF  }
0x241: {  	p0 =	sne.s32 s0, $0x0;
	s0 =	rddreg [dreg:$0x2]  }
0x242: {  	s0 =	sadd.s32 @!p0 $0x100000, s0  }
0x243: {  	[sflag:s0] =	ssyncadd.tile.s32 @!p0 $0x1;
	_ =	shalt  }
.Lfunc_end2:
_tile_overlayer_lowered:
.L_overlay_start_2:
0x244: {  	(tag) =	ssettag $0x2  }
0x245: {  	s0 =	rddreg [dreg:$0x0];
	s2 =	stileid.u32  }
0x246: {  	s1 =	rddreg [dreg:$0x1];
	p0 =	sne.s32 s2, $0x0  }
0x247: {  	s3 =	rddreg [dreg:$0x2];
	[bflag:$0x3] =	sbarrier.arrive $0xFFFF;
	s2 =	simm.s32 @!p0 $0x1C05  }
0x248: {  	[timem:s3], [sflag:s2] =	dma.local @!p0 [hbm:s0], s1  }
0x249: {  	s0 =	simm.s32 @!p0 $0x5  }
0x24a: {  	_ =	swait.ge @!p0 [sflag:s0], s1  }
0x24b: {  	s1 =	ssub.s32 @!p0 $0x0, s1;
	[sflag:s0] =	ssyncset.done @!p0 $0x0  }
0x24c: {  	[sflag:s0] =	ssyncadd.s32 @!p0 s1  }
0x24d: {  	[bflag:$0x3] =	sbarrier.arrive $0xFFFF  }
0x24e: {  	_ =	shalt  }

</sc_bundles>
